<compile_context>
chip_gen: v7x
topology: tpu7x:2x2x1
jax: 0.10.2.dev20260603
libtpu: 0.0.44.dev20260713+nightly
codegen_flags: <defaults>
</compile_context>

<pallas_src>
import dataclasses
import functools

import jax
import jax.numpy as jnp
from jax import lax
from jax.experimental import pallas as pl
from jax.experimental.pallas import tpu as pltpu
from jax.experimental.pallas import tpu_sc as plsc

_N = 10000
_IN_C = 128
_OUT_C = 64
_HID = 128
_E = 320000

_NC = 2
_NS = 16
_NW = _NC * _NS
_CHUNK = 128
_CPW = 79
_E_PAD = _NW * _CPW * _CHUNK
_N_PAD = 10112
_RPT = _N_PAD // _NS

_ROWS_BLK = 1000

_mesh = plsc.VectorSubcoreMesh(
    core_axis_name="c", subcore_axis_name="s", num_cores=_NC, num_subcores=_NS
)

_cp = pltpu.CompilerParams()
if "needs_layout_passes" in pltpu.CompilerParams.__dataclass_fields__:
    _cp = dataclasses.replace(_cp, needs_layout_passes=False)


def _sc_count(dst3):

    @functools.partial(
        pl.kernel,
        out_type=jax.ShapeDtypeStruct((_NW, _N_PAD), jnp.float32),
        mesh=_mesh,
        compiler_params=_cp,
        scratch_types=[
            pltpu.VMEM((_CPW, _CHUNK), jnp.int32),
            pltpu.VMEM((_N_PAD,), jnp.float32),
        ],
    )
    def k(dst_hbm, out_hbm, dstv, acc):
        c = lax.axis_index("c")
        s = lax.axis_index("s")
        wid = c * _NS + s
        pltpu.sync_copy(dst_hbm.at[wid], dstv)
        zeros16 = jnp.zeros((16,), jnp.float32)

        @pl.loop(0, _N_PAD // 16)
        def _(i):
            acc[pl.ds(i * 16, 16)] = zeros16

        ones16 = jnp.ones((16,), jnp.float32)

        @pl.loop(0, _CPW)
        def _(i):
            for j in range(_CHUNK // 16):
                idx = dstv[i, pl.ds(j * 16, 16)]
                plsc.addupdate_scatter(acc, [idx], ones16)

        pltpu.sync_copy(acc, out_hbm.at[wid])

    return k(dst3)


def _sc_prop(g, src3, dst3, zeros_feat):

    @functools.partial(
        pl.kernel,
        out_type=jax.ShapeDtypeStruct((_NC, _N_PAD, _HID), jnp.float32),
        mesh=_mesh,
        scratch_types=[
            pltpu.VMEM((_CPW, _CHUNK), jnp.int32),
            pltpu.VMEM((_CPW, _CHUNK), jnp.int32),
            pltpu.VMEM((_CHUNK, _HID), jnp.float32),
            pltpu.VMEM_SHARED((_N_PAD, _HID), jnp.float32),
            pltpu.SemaphoreType.DMA,
        ],
    )
    def k(g_hbm, src_hbm, dst_hbm, zeros_hbm, out_hbm, srcv, dstv, rows, acc,
          sem):
        c = lax.axis_index("c")
        s = lax.axis_index("s")
        wid = c * _NS + s
        pltpu.sync_copy(src_hbm.at[wid], srcv)
        pltpu.sync_copy(dst_hbm.at[wid], dstv)
        pltpu.sync_copy(
            zeros_hbm.at[pl.ds(s * _RPT, _RPT)], acc.at[pl.ds(s * _RPT, _RPT)]
        )
        plsc.subcore_barrier()

        @pl.loop(0, _CPW)
        def _(i):
            pltpu.async_copy(g_hbm.at[srcv.at[i]], rows, sem).wait()
            pltpu.sync_copy(rows, acc.at[dstv.at[i]], add=True)

        plsc.subcore_barrier()
        pltpu.sync_copy(
            acc.at[pl.ds(s * _RPT, _RPT)], out_hbm.at[c, pl.ds(s * _RPT, _RPT)]
        )

    return k(g, src3, dst3, zeros_feat)


def _tc_matmul(x, w):
    def body(x_ref, w_ref, o_ref):
        o_ref[...] = jnp.dot(
            x_ref[...], w_ref[...], preferred_element_type=jnp.float32
        )

    return pl.pallas_call(
        body,
        grid=(_N // _ROWS_BLK,),
        in_specs=[
            pl.BlockSpec((_ROWS_BLK, _IN_C), lambda i: (i, 0)),
            pl.BlockSpec((_IN_C, _HID), lambda i: (0, 0)),
        ],
        out_specs=pl.BlockSpec((_ROWS_BLK, _HID), lambda i: (i, 0)),
        out_shape=jax.ShapeDtypeStruct((_N, _HID), jnp.float32),
    )(x, w)


def _tc_dis(cnt):

    def body(c_ref, o_ref):
        o_ref[...] = lax.rsqrt(jnp.sum(c_ref[...], axis=0) + 1.0)[:, None]

    return pl.pallas_call(
        body,
        out_shape=jax.ShapeDtypeStruct((_N_PAD, 1), jnp.float32),
    )(cnt)


def _tc_scale(dis, t):

    def body(d_ref, t_ref, o_ref):
        o_ref[...] = d_ref[...] * t_ref[...]

    return pl.pallas_call(
        body,
        grid=(_N // _ROWS_BLK,),
        in_specs=[
            pl.BlockSpec((_ROWS_BLK, 1), lambda i: (i, 0)),
            pl.BlockSpec((_ROWS_BLK, _HID), lambda i: (i, 0)),
        ],
        out_specs=pl.BlockSpec((_ROWS_BLK, _HID), lambda i: (i, 0)),
        out_shape=jax.ShapeDtypeStruct((_N, _HID), jnp.float32),
    )(dis, t)


def _tc_bn(p, g1, dis, b1, gamma, beta):

    def body(p_ref, g_ref, d_ref, b_ref, ga_ref, be_ref, o_ref):
        d = d_ref[:_N, 0]
        h = d[:, None] * (p_ref[0, :_N, :] + p_ref[1, :_N, :] + g_ref[...])
        h = h + b_ref[0, :]
        mean = jnp.mean(h, axis=0)
        var = jnp.mean((h - mean) ** 2, axis=0)
        hn = (h - mean) * lax.rsqrt(var + 1e-5) * ga_ref[0, :] + be_ref[0, :]
        o_ref[...] = d[:, None] * jnp.maximum(hn, 0.0)

    return pl.pallas_call(
        body,
        out_shape=jax.ShapeDtypeStruct((_N, _HID), jnp.float32),
    )(p, g1, dis, b1, gamma, beta)


def _tc_out(p, g2, dis, wml, bml):

    def body(p_ref, g_ref, d_ref, w_ref, b_ref, o_ref):
        q = d_ref[...] * (p_ref[0] + p_ref[1] + g_ref[...])
        o_ref[...] = (
            jnp.dot(q, w_ref[...], preferred_element_type=jnp.float32) + b_ref[0, :]
        )

    return pl.pallas_call(
        body,
        grid=(_N // _ROWS_BLK,),
        in_specs=[
            pl.BlockSpec((2, _ROWS_BLK, _HID), lambda i: (0, i, 0)),
            pl.BlockSpec((_ROWS_BLK, _HID), lambda i: (i, 0)),
            pl.BlockSpec((_ROWS_BLK, 1), lambda i: (i, 0)),
            pl.BlockSpec((_HID, _HID), lambda i: (0, 0)),
            pl.BlockSpec((1, _HID), lambda i: (0, 0)),
        ],
        out_specs=pl.BlockSpec((_ROWS_BLK, _HID), lambda i: (i, 0)),
        out_shape=jax.ShapeDtypeStruct((_N, _HID), jnp.float32),
    )(p, g2, dis, wml, bml)


def kernel(x, edge_index, W1, b1, gamma, beta, Wmu, bmu, Wls, bls):
    src = edge_index[0]
    dst = edge_index[1]
    pad = _E_PAD - _E
    src3 = jnp.concatenate([src, jnp.zeros((pad,), jnp.int32)]).reshape(
        _NW, _CPW, _CHUNK
    )
    dst3 = jnp.concatenate([dst, jnp.full((pad,), _N, jnp.int32)]).reshape(
        _NW, _CPW, _CHUNK
    )
    zeros_feat = jnp.zeros((_N_PAD, _HID), jnp.float32)

    cnt = _sc_count(dst3)
    t1 = _tc_matmul(x, W1)
    dis = _tc_dis(cnt)
    g1 = _tc_scale(dis, t1)
    p1 = _sc_prop(g1, src3, dst3, zeros_feat)
    g2 = _tc_bn(
        p1, g1, dis, b1.reshape(1, -1), gamma.reshape(1, -1), beta.reshape(1, -1)
    )
    p2 = _sc_prop(g2, src3, dst3, zeros_feat)
    wml = jnp.concatenate([Wmu, Wls], axis=1)
    bml = jnp.concatenate([bmu, bls]).reshape(1, -1)
    y = _tc_out(p2, g2, dis, wml, bml)
    return y[:, :_OUT_C], y[:, _OUT_C:]

# --- scband reference (transcript-rebuilt; emitter-appended) ---
"""Pipeline reference for scband-vgcnencoder2-2164663517813 (READ-ONLY COPY).

The authoritative reference and input builder live on the scoring server;
editing this copy changes nothing except your own understanding.
"""

import jax, jax.numpy as jnp
import numpy as np

N = 10000
E = 320000
IN_C = 128
OUT_C = 64
HID = 2 * OUT_C


def _glorot(key, shape):
    fan_in, fan_out = shape[0], shape[1]
    std = float(np.sqrt(2.0 / (fan_in + fan_out)))
    return jax.random.normal(key, shape, dtype=jnp.float32) * std


def setup_inputs(seed: int = 0) -> dict:
    key = jax.random.key(seed)
    ks = jax.random.split(key, 8)
    x = jax.random.normal(ks[0], (N, IN_C), dtype=jnp.float32)
    edge_index = jax.random.randint(ks[1], (2, E), 0, N, dtype=jnp.int32)
    W1 = _glorot(ks[2], (IN_C, HID))
    b1 = jnp.zeros((HID,), dtype=jnp.float32)
    gamma = jnp.ones((HID,), dtype=jnp.float32)
    beta = jnp.zeros((HID,), dtype=jnp.float32)
    Wmu = _glorot(ks[3], (HID, OUT_C))
    bmu = jnp.zeros((OUT_C,), dtype=jnp.float32)
    Wls = _glorot(ks[4], (HID, OUT_C))
    bls = jnp.zeros((OUT_C,), dtype=jnp.float32)
    return {"x": x, "edge_index": edge_index, "W1": W1, "b1": b1,
            "gamma": gamma, "beta": beta, "Wmu": Wmu, "bmu": bmu,
            "Wls": Wls, "bls": bls}


def _gcn_conv(h, src, dst, W, b):
    # PyG GCNConv: linear transform, add self-loops, symmetric deg norm, scatter-add
    h = h @ W
    loop = jnp.arange(N, dtype=src.dtype)
    s = jnp.concatenate([src, loop])
    d = jnp.concatenate([dst, loop])
    deg = jnp.zeros((N,), dtype=h.dtype).at[d].add(1.0)
    dis = jnp.where(deg > 0, jax.lax.rsqrt(deg), 0.0)
    norm = dis[s] * dis[d]
    msg = h[s] * norm[:, None]
    out = jax.ops.segment_sum(msg, d, num_segments=N)
    return out + b


def reference(x, edge_index, W1, b1, gamma, beta, Wmu, bmu, Wls, bls):
    src = edge_index[0]
    dst = edge_index[1]
    h = _gcn_conv(x, src, dst, W1, b1)
    # BatchNorm1d with batch statistics (training-mode stats), eps=1e-5
    mean = jnp.mean(h, axis=0)
    var = jnp.var(h, axis=0)
    h = (h - mean) * jax.lax.rsqrt(var + 1e-5) * gamma + beta
    h = jax.nn.relu(h)
    # dropout -> identity (deterministic inference)
    mu = _gcn_conv(h, src, dst, Wmu, bmu)
    logstd = _gcn_conv(h, src, dst, Wls, bls)
    return (mu, logstd)

if __name__ == "__main__":
    import jax
    _d = setup_inputs()
    print(jax.jit(kernel)(*tuple(_d.values())))

</pallas_src>

<mosaic_0001>
#map = affine_map<(d0, d1) -> (0, 0, 0)>
#map1 = affine_map<(d0, d1) -> (0, 0)>
module attributes {stable_mosaic.version = 14 : i64} {
  func.func @k(%arg0: i32, %arg1: i32, %arg2: memref<32x79x128xi32, #tpu.memory_space<hbm>>, %arg3: memref<32x10112xf32, #tpu.memory_space<hbm>>, %arg4: memref<79x128xi32, #tpu.memory_space<vmem>>, %arg5: memref<10112xf32, #tpu.memory_space<vmem>>) attributes {dimension_semantics = [#tpu.dimension_semantics<core_parallel>, #tpu.dimension_semantics<subcore_parallel>], iteration_bounds = array<i64: 2, 16>, scalar_prefetch = 0 : i64, scratch_operands = 2 : i64, tpu.core_type = #tpu.core_type<sc_vector_subcore>, window_params = [{transform_indices = #map}, {transform_indices = #map1}]} {
    %mul3A = arith.constant 16 : i32
    %mul3A_0 = arith.muli %arg0, %mul3A : i32
    %add3A = arith.addi %mul3A_0, %arg1 : i32
    "tpu.region"() ({
      %run_scoped3A = tpu.sem_alloc : memref<!tpu.dma_semaphore, #tpu.memory_space<semaphore_mem>>
      %dma_start3A = arith.constant 0 : i32
      %dma_start3A_13 = arith.constant 0 : i32
      %dma_start3A_14 = tpu.memref_slice %arg2[%add3A, %dma_start3A, %dma_start3A_13] : memref<32x79x128xi32, #tpu.memory_space<hbm>> -> memref<1x79x128xi32, #tpu.memory_space<hbm>>
      %dma_start3A_15 = tpu.memref_squeeze %dma_start3A_14 : memref<1x79x128xi32, #tpu.memory_space<hbm>> -> memref<79x128xi32, #tpu.memory_space<hbm>>
      %dma_start3A_16 = arith.constant 0 : i32
      %dma_start3A_17 = arith.constant 0 : i32
      %dma_start3A_18 = tpu.memref_slice %arg2[%add3A, %dma_start3A_16, %dma_start3A_17] : memref<32x79x128xi32, #tpu.memory_space<hbm>> -> memref<1x79x128xi32, #tpu.memory_space<hbm>>
      %dma_start3A_19 = tpu.memref_squeeze %dma_start3A_18 : memref<1x79x128xi32, #tpu.memory_space<hbm>> -> memref<79x128xi32, #tpu.memory_space<hbm>>
      tpu.enqueue_dma source(%dma_start3A_19 : memref<79x128xi32, #tpu.memory_space<hbm>>) target(%arg4 : memref<79x128xi32, #tpu.memory_space<vmem>>) target_semaphore(%run_scoped3A : memref<!tpu.dma_semaphore, #tpu.memory_space<semaphore_mem>>)
      %dma_wait3A = arith.constant 0 : i32
      %dma_wait3A_20 = arith.constant 0 : i32
      %dma_wait3A_21 = tpu.memref_slice %arg2[%add3A, %dma_wait3A, %dma_wait3A_20] : memref<32x79x128xi32, #tpu.memory_space<hbm>> -> memref<1x79x128xi32, #tpu.memory_space<hbm>>
      %dma_wait3A_22 = tpu.memref_squeeze %dma_wait3A_21 : memref<1x79x128xi32, #tpu.memory_space<hbm>> -> memref<79x128xi32, #tpu.memory_space<hbm>>
      %dma_wait3A_23 = arith.constant 0 : i32
      %dma_wait3A_24 = arith.constant 0 : i32
      %dma_wait3A_25 = tpu.memref_slice %arg2[%add3A, %dma_wait3A_23, %dma_wait3A_24] : memref<32x79x128xi32, #tpu.memory_space<hbm>> -> memref<1x79x128xi32, #tpu.memory_space<hbm>>
      %dma_wait3A_26 = tpu.memref_squeeze %dma_wait3A_25 : memref<1x79x128xi32, #tpu.memory_space<hbm>> -> memref<79x128xi32, #tpu.memory_space<hbm>>
      tpu.wait_dma2 semaphore(%run_scoped3A : memref<!tpu.dma_semaphore, #tpu.memory_space<semaphore_mem>>) src(%dma_wait3A_26 : memref<79x128xi32, #tpu.memory_space<hbm>>) dst(%arg4 : memref<79x128xi32, #tpu.memory_space<vmem>>)
      tpu.yield
    }) : () -> ()
    %broadcast_in_dim3A = arith.constant 0.000000e+00 : f32
    %broadcast_in_dim3A_1 = vector.broadcast %broadcast_in_dim3A : f32 to vector<16xf32>
    %scan3A = arith.constant 0 : i32
    %scan3A_2 = arith.constant 632 : i32
    %scan3A_3 = arith.addi %scan3A, %scan3A_2 : i32
    %scan3A_4 = arith.constant 1 : i32
    scf.for %scan3A_13 = %scan3A to %scan3A_3 step %scan3A_4  : i32 {
      %mul3A_14 = arith.constant 1 : i32
      %mul3A_15 = arith.muli %scan3A_13, %mul3A_14 : i32
      %add3A_16 = arith.constant 0 : i32
      %add3A_17 = arith.addi %add3A_16, %mul3A_15 : i32
      %mul3A_18 = arith.constant 16 : i32
      %mul3A_19 = arith.muli %add3A_17, %mul3A_18 : i32
      %swap3A = arith.index_cast %mul3A_19 : i32 to index
      %swap3A_20 = tpu.vector_load %arg5[%swap3A] {strides = array<i32>} : memref<10112xf32, #tpu.memory_space<vmem>>, vector<16xf32>,
      tpu.vector_store %arg5[%swap3A], %broadcast_in_dim3A_1 {strides = array<i32>} : memref<10112xf32, #tpu.memory_space<vmem>>, vector<16xf32>,
    }
    %scan3A_5 = arith.constant 632 : i32
    %broadcast_in_dim3A_6 = arith.constant 1.000000e+00 : f32
    %broadcast_in_dim3A_7 = vector.broadcast %broadcast_in_dim3A_6 : f32 to vector<16xf32>
    %scan3A_8 = arith.constant 0 : i32
    %scan3A_9 = arith.constant 79 : i32
    %scan3A_10 = arith.addi %scan3A_8, %scan3A_9 : i32
    %scan3A_11 = arith.constant 1 : i32
    scf.for %scan3A_13 = %scan3A_8 to %scan3A_10 step %scan3A_11  : i32 {
      %mul3A_14 = arith.constant 1 : i32
      %mul3A_15 = arith.muli %scan3A_13, %mul3A_14 : i32
      %add3A_16 = arith.constant 0 : i32
      %add3A_17 = arith.addi %add3A_16, %mul3A_15 : i32
      %get3A = arith.index_cast %add3A_17 : i32 to index
      %get3A_18 = arith.constant 0 : index
      %get3A_19 = tpu.vector_load %arg4[%get3A, %get3A_18] {strides = array<i32>} : memref<79x128xi32, #tpu.memory_space<vmem>>, vector<16xi32>,
      tpu.vector_store_idx %arg5[%get3A_19], %broadcast_in_dim3A_7 {add = true} : memref<10112xf32, #tpu.memory_space<vmem>>[vector<16xi32>], vector<16xf32>,
      %get3A_20 = arith.index_cast %add3A_17 : i32 to index
      %get3A_21 = arith.constant 16 : index
      %get3A_22 = tpu.vector_load %arg4[%get3A_20, %get3A_21] {strides = array<i32>} : memref<79x128xi32, #tpu.memory_space<vmem>>, vector<16xi32>,
      tpu.vector_store_idx %arg5[%get3A_22], %broadcast_in_dim3A_7 {add = true} : memref<10112xf32, #tpu.memory_space<vmem>>[vector<16xi32>], vector<16xf32>,
      %get3A_23 = arith.index_cast %add3A_17 : i32 to index
      %get3A_24 = arith.constant 32 : index
      %get3A_25 = tpu.vector_load %arg4[%get3A_23, %get3A_24] {strides = array<i32>} : memref<79x128xi32, #tpu.memory_space<vmem>>, vector<16xi32>,
      tpu.vector_store_idx %arg5[%get3A_25], %broadcast_in_dim3A_7 {add = true} : memref<10112xf32, #tpu.memory_space<vmem>>[vector<16xi32>], vector<16xf32>,
      %get3A_26 = arith.index_cast %add3A_17 : i32 to index
      %get3A_27 = arith.constant 48 : index
      %get3A_28 = tpu.vector_load %arg4[%get3A_26, %get3A_27] {strides = array<i32>} : memref<79x128xi32, #tpu.memory_space<vmem>>, vector<16xi32>,
      tpu.vector_store_idx %arg5[%get3A_28], %broadcast_in_dim3A_7 {add = true} : memref<10112xf32, #tpu.memory_space<vmem>>[vector<16xi32>], vector<16xf32>,
      %get3A_29 = arith.index_cast %add3A_17 : i32 to index
      %get3A_30 = arith.constant 64 : index
      %get3A_31 = tpu.vector_load %arg4[%get3A_29, %get3A_30] {strides = array<i32>} : memref<79x128xi32, #tpu.memory_space<vmem>>, vector<16xi32>,
      tpu.vector_store_idx %arg5[%get3A_31], %broadcast_in_dim3A_7 {add = true} : memref<10112xf32, #tpu.memory_space<vmem>>[vector<16xi32>], vector<16xf32>,
      %get3A_32 = arith.index_cast %add3A_17 : i32 to index
      %get3A_33 = arith.constant 80 : index
      %get3A_34 = tpu.vector_load %arg4[%get3A_32, %get3A_33] {strides = array<i32>} : memref<79x128xi32, #tpu.memory_space<vmem>>, vector<16xi32>,
      tpu.vector_store_idx %arg5[%get3A_34], %broadcast_in_dim3A_7 {add = true} : memref<10112xf32, #tpu.memory_space<vmem>>[vector<16xi32>], vector<16xf32>,
      %get3A_35 = arith.index_cast %add3A_17 : i32 to index
      %get3A_36 = arith.constant 96 : index
      %get3A_37 = tpu.vector_load %arg4[%get3A_35, %get3A_36] {strides = array<i32>} : memref<79x128xi32, #tpu.memory_space<vmem>>, vector<16xi32>,
      tpu.vector_store_idx %arg5[%get3A_37], %broadcast_in_dim3A_7 {add = true} : memref<10112xf32, #tpu.memory_space<vmem>>[vector<16xi32>], vector<16xf32>,
      %get3A_38 = arith.index_cast %add3A_17 : i32 to index
      %get3A_39 = arith.constant 112 : index
      %get3A_40 = tpu.vector_load %arg4[%get3A_38, %get3A_39] {strides = array<i32>} : memref<79x128xi32, #tpu.memory_space<vmem>>, vector<16xi32>,
      tpu.vector_store_idx %arg5[%get3A_40], %broadcast_in_dim3A_7 {add = true} : memref<10112xf32, #tpu.memory_space<vmem>>[vector<16xi32>], vector<16xf32>,
    }
    %scan3A_12 = arith.constant 79 : i32
    "tpu.region"() ({
      %run_scoped3A = tpu.sem_alloc : memref<!tpu.dma_semaphore, #tpu.memory_space<semaphore_mem>>
      %dma_start3A = arith.constant 0 : i32
      %dma_start3A_13 = tpu.memref_slice %arg3[%add3A, %dma_start3A] : memref<32x10112xf32, #tpu.memory_space<hbm>> -> memref<1x10112xf32, #tpu.memory_space<hbm>>
      %dma_start3A_14 = tpu.memref_squeeze %dma_start3A_13 : memref<1x10112xf32, #tpu.memory_space<hbm>> -> memref<10112xf32, #tpu.memory_space<hbm>>
      %dma_start3A_15 = arith.constant 0 : i32
      %dma_start3A_16 = tpu.memref_slice %arg3[%add3A, %dma_start3A_15] : memref<32x10112xf32, #tpu.memory_space<hbm>> -> memref<1x10112xf32, #tpu.memory_space<hbm>>
      %dma_start3A_17 = tpu.memref_squeeze %dma_start3A_16 : memref<1x10112xf32, #tpu.memory_space<hbm>> -> memref<10112xf32, #tpu.memory_space<hbm>>
      tpu.enqueue_dma source(%arg5 : memref<10112xf32, #tpu.memory_space<vmem>>) target(%dma_start3A_17 : memref<10112xf32, #tpu.memory_space<hbm>>) target_semaphore(%run_scoped3A : memref<!tpu.dma_semaphore, #tpu.memory_space<semaphore_mem>>)
      %dma_wait3A = arith.constant 0 : i32
      %dma_wait3A_18 = tpu.memref_slice %arg3[%add3A, %dma_wait3A] : memref<32x10112xf32, #tpu.memory_space<hbm>> -> memref<1x10112xf32, #tpu.memory_space<hbm>>
      %dma_wait3A_19 = tpu.memref_squeeze %dma_wait3A_18 : memref<1x10112xf32, #tpu.memory_space<hbm>> -> memref<10112xf32, #tpu.memory_space<hbm>>
      %dma_wait3A_20 = arith.constant 0 : i32
      %dma_wait3A_21 = tpu.memref_slice %arg3[%add3A, %dma_wait3A_20] : memref<32x10112xf32, #tpu.memory_space<hbm>> -> memref<1x10112xf32, #tpu.memory_space<hbm>>
      %dma_wait3A_22 = tpu.memref_squeeze %dma_wait3A_21 : memref<1x10112xf32, #tpu.memory_space<hbm>> -> memref<10112xf32, #tpu.memory_space<hbm>>
      tpu.wait_dma2 semaphore(%run_scoped3A : memref<!tpu.dma_semaphore, #tpu.memory_space<semaphore_mem>>) src(%arg5 : memref<10112xf32, #tpu.memory_space<vmem>>) dst(%dma_wait3A_22 : memref<10112xf32, #tpu.memory_space<hbm>>)
      tpu.yield
    }) : () -> ()
    return
  }
}

#map = affine_map<(d0, d1) -> (0, 0)>
#map1 = affine_map<(d0, d1) -> (0, 0, 0)>
module attributes {stable_mosaic.version = 14 : i64} {
  func.func @k(%arg0: i32, %arg1: i32, %arg2: memref<10000x128xf32, #tpu.memory_space<hbm>>, %arg3: memref<32x79x128xi32, #tpu.memory_space<hbm>>, %arg4: memref<32x79x128xi32, #tpu.memory_space<hbm>>, %arg5: memref<10112x128xf32, #tpu.memory_space<hbm>>, %arg6: memref<2x10112x128xf32, #tpu.memory_space<hbm>>, %arg7: memref<79x128xi32, #tpu.memory_space<vmem>>, %arg8: memref<79x128xi32, #tpu.memory_space<vmem>>, %arg9: memref<128x128xf32, #tpu.memory_space<vmem>>, %arg10: memref<10112x128xf32, #tpu.memory_space<vmem_shared>>, %arg11: memref<!tpu.dma_semaphore, #tpu.memory_space<semaphore_mem>>) attributes {dimension_semantics = [#tpu.dimension_semantics<core_parallel>, #tpu.dimension_semantics<subcore_parallel>], iteration_bounds = array<i64: 2, 16>, scalar_prefetch = 0 : i64, scratch_operands = 5 : i64, tpu.core_type = #tpu.core_type<sc_vector_subcore>, window_params = [{transform_indices = #map}, {transform_indices = #map1}, {transform_indices = #map1}, {transform_indices = #map}, {transform_indices = #map1}]} {
    %mul3A = arith.constant 16 : i32
    %mul3A_0 = arith.muli %arg0, %mul3A : i32
    %add3A = arith.addi %mul3A_0, %arg1 : i32
    "tpu.region"() ({
      %run_scoped3A = tpu.sem_alloc : memref<!tpu.dma_semaphore, #tpu.memory_space<semaphore_mem>>
      %dma_start3A = arith.constant 0 : i32
      %dma_start3A_14 = arith.constant 0 : i32
      %dma_start3A_15 = tpu.memref_slice %arg3[%add3A, %dma_start3A, %dma_start3A_14] : memref<32x79x128xi32, #tpu.memory_space<hbm>> -> memref<1x79x128xi32, #tpu.memory_space<hbm>>
      %dma_start3A_16 = tpu.memref_squeeze %dma_start3A_15 : memref<1x79x128xi32, #tpu.memory_space<hbm>> -> memref<79x128xi32, #tpu.memory_space<hbm>>
      %dma_start3A_17 = arith.constant 0 : i32
      %dma_start3A_18 = arith.constant 0 : i32
      %dma_start3A_19 = tpu.memref_slice %arg3[%add3A, %dma_start3A_17, %dma_start3A_18] : memref<32x79x128xi32, #tpu.memory_space<hbm>> -> memref<1x79x128xi32, #tpu.memory_space<hbm>>
      %dma_start3A_20 = tpu.memref_squeeze %dma_start3A_19 : memref<1x79x128xi32, #tpu.memory_space<hbm>> -> memref<79x128xi32, #tpu.memory_space<hbm>>
      tpu.enqueue_dma source(%dma_start3A_20 : memref<79x128xi32, #tpu.memory_space<hbm>>) target(%arg7 : memref<79x128xi32, #tpu.memory_space<vmem>>) target_semaphore(%run_scoped3A : memref<!tpu.dma_semaphore, #tpu.memory_space<semaphore_mem>>)
      %dma_wait3A = arith.constant 0 : i32
      %dma_wait3A_21 = arith.constant 0 : i32
      %dma_wait3A_22 = tpu.memref_slice %arg3[%add3A, %dma_wait3A, %dma_wait3A_21] : memref<32x79x128xi32, #tpu.memory_space<hbm>> -> memref<1x79x128xi32, #tpu.memory_space<hbm>>
      %dma_wait3A_23 = tpu.memref_squeeze %dma_wait3A_22 : memref<1x79x128xi32, #tpu.memory_space<hbm>> -> memref<79x128xi32, #tpu.memory_space<hbm>>
      %dma_wait3A_24 = arith.constant 0 : i32
      %dma_wait3A_25 = arith.constant 0 : i32
      %dma_wait3A_26 = tpu.memref_slice %arg3[%add3A, %dma_wait3A_24, %dma_wait3A_25] : memref<32x79x128xi32, #tpu.memory_space<hbm>> -> memref<1x79x128xi32, #tpu.memory_space<hbm>>
      %dma_wait3A_27 = tpu.memref_squeeze %dma_wait3A_26 : memref<1x79x128xi32, #tpu.memory_space<hbm>> -> memref<79x128xi32, #tpu.memory_space<hbm>>
      tpu.wait_dma2 semaphore(%run_scoped3A : memref<!tpu.dma_semaphore, #tpu.memory_space<semaphore_mem>>) src(%dma_wait3A_27 : memref<79x128xi32, #tpu.memory_space<hbm>>) dst(%arg7 : memref<79x128xi32, #tpu.memory_space<vmem>>)
      tpu.yield
    }) : () -> ()
    "tpu.region"() ({
      %run_scoped3A = tpu.sem_alloc : memref<!tpu.dma_semaphore, #tpu.memory_space<semaphore_mem>>
      %dma_start3A = arith.constant 0 : i32
      %dma_start3A_14 = arith.constant 0 : i32
      %dma_start3A_15 = tpu.memref_slice %arg4[%add3A, %dma_start3A, %dma_start3A_14] : memref<32x79x128xi32, #tpu.memory_space<hbm>> -> memref<1x79x128xi32, #tpu.memory_space<hbm>>
      %dma_start3A_16 = tpu.memref_squeeze %dma_start3A_15 : memref<1x79x128xi32, #tpu.memory_space<hbm>> -> memref<79x128xi32, #tpu.memory_space<hbm>>
      %dma_start3A_17 = arith.constant 0 : i32
      %dma_start3A_18 = arith.constant 0 : i32
      %dma_start3A_19 = tpu.memref_slice %arg4[%add3A, %dma_start3A_17, %dma_start3A_18] : memref<32x79x128xi32, #tpu.memory_space<hbm>> -> memref<1x79x128xi32, #tpu.memory_space<hbm>>
      %dma_start3A_20 = tpu.memref_squeeze %dma_start3A_19 : memref<1x79x128xi32, #tpu.memory_space<hbm>> -> memref<79x128xi32, #tpu.memory_space<hbm>>
      tpu.enqueue_dma source(%dma_start3A_20 : memref<79x128xi32, #tpu.memory_space<hbm>>) target(%arg8 : memref<79x128xi32, #tpu.memory_space<vmem>>) target_semaphore(%run_scoped3A : memref<!tpu.dma_semaphore, #tpu.memory_space<semaphore_mem>>)
      %dma_wait3A = arith.constant 0 : i32
      %dma_wait3A_21 = arith.constant 0 : i32
      %dma_wait3A_22 = tpu.memref_slice %arg4[%add3A, %dma_wait3A, %dma_wait3A_21] : memref<32x79x128xi32, #tpu.memory_space<hbm>> -> memref<1x79x128xi32, #tpu.memory_space<hbm>>
      %dma_wait3A_23 = tpu.memref_squeeze %dma_wait3A_22 : memref<1x79x128xi32, #tpu.memory_space<hbm>> -> memref<79x128xi32, #tpu.memory_space<hbm>>
      %dma_wait3A_24 = arith.constant 0 : i32
      %dma_wait3A_25 = arith.constant 0 : i32
      %dma_wait3A_26 = tpu.memref_slice %arg4[%add3A, %dma_wait3A_24, %dma_wait3A_25] : memref<32x79x128xi32, #tpu.memory_space<hbm>> -> memref<1x79x128xi32, #tpu.memory_space<hbm>>
      %dma_wait3A_27 = tpu.memref_squeeze %dma_wait3A_26 : memref<1x79x128xi32, #tpu.memory_space<hbm>> -> memref<79x128xi32, #tpu.memory_space<hbm>>
      tpu.wait_dma2 semaphore(%run_scoped3A : memref<!tpu.dma_semaphore, #tpu.memory_space<semaphore_mem>>) src(%dma_wait3A_27 : memref<79x128xi32, #tpu.memory_space<hbm>>) dst(%arg8 : memref<79x128xi32, #tpu.memory_space<vmem>>)
      tpu.yield
    }) : () -> ()
    %mul3A_1 = arith.constant 632 : i32
    %mul3A_2 = arith.muli %arg1, %mul3A_1 : i32
    %mul3A_3 = arith.constant 632 : i32
    %mul3A_4 = arith.muli %arg1, %mul3A_3 : i32
    "tpu.region"() ({
      %run_scoped3A = tpu.sem_alloc : memref<!tpu.dma_semaphore, #tpu.memory_space<semaphore_mem>>
      %dma_start3A = arith.constant 0 : i32
      %dma_start3A_14 = tpu.memref_slice %arg10[%mul3A_4, %dma_start3A] : memref<10112x128xf32, #tpu.memory_space<vmem_shared>> -> memref<632x128xf32, #tpu.memory_space<vmem_shared>>
      %dma_start3A_15 = arith.constant 0 : i32
      %dma_start3A_16 = tpu.memref_slice %arg5[%mul3A_2, %dma_start3A_15] : memref<10112x128xf32, #tpu.memory_space<hbm>> -> memref<632x128xf32, #tpu.memory_space<hbm>>
      tpu.enqueue_dma source(%dma_start3A_16 : memref<632x128xf32, #tpu.memory_space<hbm>>) target(%dma_start3A_14 : memref<632x128xf32, #tpu.memory_space<vmem_shared>>) target_semaphore(%run_scoped3A : memref<!tpu.dma_semaphore, #tpu.memory_space<semaphore_mem>>)
      %dma_wait3A = arith.constant 0 : i32
      %dma_wait3A_17 = tpu.memref_slice %arg10[%mul3A_4, %dma_wait3A] : memref<10112x128xf32, #tpu.memory_space<vmem_shared>> -> memref<632x128xf32, #tpu.memory_space<vmem_shared>>
      %dma_wait3A_18 = arith.constant 0 : i32
      %dma_wait3A_19 = tpu.memref_slice %arg5[%mul3A_2, %dma_wait3A_18] : memref<10112x128xf32, #tpu.memory_space<hbm>> -> memref<632x128xf32, #tpu.memory_space<hbm>>
      tpu.wait_dma2 semaphore(%run_scoped3A : memref<!tpu.dma_semaphore, #tpu.memory_space<semaphore_mem>>) src(%dma_wait3A_19 : memref<632x128xf32, #tpu.memory_space<hbm>>) dst(%dma_wait3A_17 : memref<632x128xf32, #tpu.memory_space<vmem_shared>>)
      tpu.yield
    }) : () -> ()
    %barrier3A = arith.constant 0 : index
    tpu.barrier barrier_id(%barrier3A)
    %scan3A = arith.constant 0 : i32
    %scan3A_5 = arith.constant 79 : i32
    %scan3A_6 = arith.addi %scan3A, %scan3A_5 : i32
    %scan3A_7 = arith.constant 1 : i32
    scf.for %scan3A_14 = %scan3A to %scan3A_6 step %scan3A_7  : i32 {
      %mul3A_15 = arith.constant 1 : i32
      %mul3A_16 = arith.muli %scan3A_14, %mul3A_15 : i32
      %add3A_17 = arith.constant 0 : i32
      %add3A_18 = arith.addi %add3A_17, %mul3A_16 : i32
      %dma_start3A = arith.constant 0 : i32
      %dma_start3A_19 = tpu.memref_slice %arg7[%add3A_18, %dma_start3A] : memref<79x128xi32, #tpu.memory_space<vmem>> -> memref<1x128xi32, #tpu.memory_space<vmem>>
      %dma_start3A_20 = tpu.memref_squeeze %dma_start3A_19 : memref<1x128xi32, #tpu.memory_space<vmem>> -> memref<128xi32, #tpu.memory_space<vmem>>
      %dma_start3A_21 = arith.constant 0 : i32
      %dma_start3A_22 = arith.constant 0 : i32
      %dma_start3A_23 = tpu.memref_slice %arg2[%dma_start3A_21, %dma_start3A_22] : memref<10000x128xf32, #tpu.memory_space<hbm>> -> memref<10000x128xf32, #tpu.memory_space<hbm>>
      tpu.enqueue_indirect_dma source(%dma_start3A_23 : memref<10000x128xf32, #tpu.memory_space<hbm>>) target(%arg9 : memref<128x128xf32, #tpu.memory_space<vmem>>) offsets(%dma_start3A_20 : memref<128xi32, #tpu.memory_space<vmem>>) semaphore(%arg11 : memref<!tpu.dma_semaphore, #tpu.memory_space<semaphore_mem>>)
      %dma_wait3A = arith.constant 0 : i32
      %dma_wait3A_24 = tpu.memref_slice %arg7[%add3A_18, %dma_wait3A] : memref<79x128xi32, #tpu.memory_space<vmem>> -> memref<1x128xi32, #tpu.memory_space<vmem>>
      %dma_wait3A_25 = tpu.memref_squeeze %dma_wait3A_24 : memref<1x128xi32, #tpu.memory_space<vmem>> -> memref<128xi32, #tpu.memory_space<vmem>>
      %dma_wait3A_26 = arith.constant 0 : i32
      %dma_wait3A_27 = arith.constant 0 : i32
      %dma_wait3A_28 = tpu.memref_slice %arg2[%dma_wait3A_26, %dma_wait3A_27] : memref<10000x128xf32, #tpu.memory_space<hbm>> -> memref<10000x128xf32, #tpu.memory_space<hbm>>
      tpu.wait_indirect_dma semaphore(%arg11 : memref<!tpu.dma_semaphore, #tpu.memory_space<semaphore_mem>>) src(%dma_wait3A_28 : memref<10000x128xf32, #tpu.memory_space<hbm>>) dst(%arg9 : memref<128x128xf32, #tpu.memory_space<vmem>>)
      "tpu.region"() ({
        %run_scoped3A = tpu.sem_alloc : memref<!tpu.dma_semaphore, #tpu.memory_space<semaphore_mem>>
        %dma_start3A_29 = arith.constant 0 : i32
        %dma_start3A_30 = tpu.memref_slice %arg8[%add3A_18, %dma_start3A_29] : memref<79x128xi32, #tpu.memory_space<vmem>> -> memref<1x128xi32, #tpu.memory_space<vmem>>
        %dma_start3A_31 = tpu.memref_squeeze %dma_start3A_30 : memref<1x128xi32, #tpu.memory_space<vmem>> -> memref<128xi32, #tpu.memory_space<vmem>>
        %dma_start3A_32 = arith.constant 0 : i32
        %dma_start3A_33 = arith.constant 0 : i32
        %dma_start3A_34 = tpu.memref_slice %arg10[%dma_start3A_32, %dma_start3A_33] : memref<10112x128xf32, #tpu.memory_space<vmem_shared>> -> memref<10112x128xf32, #tpu.memory_space<vmem_shared>>
        tpu.enqueue_indirect_dma source(%arg9 : memref<128x128xf32, #tpu.memory_space<vmem>>) target(%dma_start3A_34 : memref<10112x128xf32, #tpu.memory_space<vmem_shared>>) offsets(%dma_start3A_31 : memref<128xi32, #tpu.memory_space<vmem>>) semaphore(%run_scoped3A : memref<!tpu.dma_semaphore, #tpu.memory_space<semaphore_mem>>) {add = true}
        %dma_wait3A_35 = arith.constant 0 : i32
        %dma_wait3A_36 = tpu.memref_slice %arg8[%add3A_18, %dma_wait3A_35] : memref<79x128xi32, #tpu.memory_space<vmem>> -> memref<1x128xi32, #tpu.memory_space<vmem>>
        %dma_wait3A_37 = tpu.memref_squeeze %dma_wait3A_36 : memref<1x128xi32, #tpu.memory_space<vmem>> -> memref<128xi32, #tpu.memory_space<vmem>>
        %dma_wait3A_38 = arith.constant 0 : i32
        %dma_wait3A_39 = arith.constant 0 : i32
        %dma_wait3A_40 = tpu.memref_slice %arg10[%dma_wait3A_38, %dma_wait3A_39] : memref<10112x128xf32, #tpu.memory_space<vmem_shared>> -> memref<10112x128xf32, #tpu.memory_space<vmem_shared>>
        tpu.wait_indirect_dma semaphore(%run_scoped3A : memref<!tpu.dma_semaphore, #tpu.memory_space<semaphore_mem>>) src(%arg9 : memref<128x128xf32, #tpu.memory_space<vmem>>) dst(%dma_wait3A_40 : memref<10112x128xf32, #tpu.memory_space<vmem_shared>>)
        tpu.yield
      }) : () -> ()
    }
    %scan3A_8 = arith.constant 79 : i32
    %barrier3A_9 = arith.constant 0 : index
    tpu.barrier barrier_id(%barrier3A_9)
    %mul3A_10 = arith.constant 632 : i32
    %mul3A_11 = arith.muli %arg1, %mul3A_10 : i32
    %mul3A_12 = arith.constant 632 : i32
    %mul3A_13 = arith.muli %arg1, %mul3A_12 : i32
    "tpu.region"() ({
      %run_scoped3A = tpu.sem_alloc : memref<!tpu.dma_semaphore, #tpu.memory_space<semaphore_mem>>
      %dma_start3A = arith.constant 0 : i32
      %dma_start3A_14 = tpu.memref_slice %arg6[%arg0, %mul3A_13, %dma_start3A] : memref<2x10112x128xf32, #tpu.memory_space<hbm>> -> memref<1x632x128xf32, #tpu.memory_space<hbm>>
      %dma_start3A_15 = tpu.memref_squeeze %dma_start3A_14 : memref<1x632x128xf32, #tpu.memory_space<hbm>> -> memref<632x128xf32, #tpu.memory_space<hbm>>
      %dma_start3A_16 = arith.constant 0 : i32
      %dma_start3A_17 = tpu.memref_slice %arg10[%mul3A_11, %dma_start3A_16] : memref<10112x128xf32, #tpu.memory_space<vmem_shared>> -> memref<632x128xf32, #tpu.memory_space<vmem_shared>>
      tpu.enqueue_dma source(%dma_start3A_17 : memref<632x128xf32, #tpu.memory_space<vmem_shared>>) target(%dma_start3A_15 : memref<632x128xf32, #tpu.memory_space<hbm>>) target_semaphore(%run_scoped3A : memref<!tpu.dma_semaphore, #tpu.memory_space<semaphore_mem>>)
      %dma_wait3A = arith.constant 0 : i32
      %dma_wait3A_18 = tpu.memref_slice %arg6[%arg0, %mul3A_13, %dma_wait3A] : memref<2x10112x128xf32, #tpu.memory_space<hbm>> -> memref<1x632x128xf32, #tpu.memory_space<hbm>>
      %dma_wait3A_19 = tpu.memref_squeeze %dma_wait3A_18 : memref<1x632x128xf32, #tpu.memory_space<hbm>> -> memref<632x128xf32, #tpu.memory_space<hbm>>
      %dma_wait3A_20 = arith.constant 0 : i32
      %dma_wait3A_21 = tpu.memref_slice %arg10[%mul3A_11, %dma_wait3A_20] : memref<10112x128xf32, #tpu.memory_space<vmem_shared>> -> memref<632x128xf32, #tpu.memory_space<vmem_shared>>
      tpu.wait_dma2 semaphore(%run_scoped3A : memref<!tpu.dma_semaphore, #tpu.memory_space<semaphore_mem>>) src(%dma_wait3A_21 : memref<632x128xf32, #tpu.memory_space<vmem_shared>>) dst(%dma_wait3A_19 : memref<632x128xf32, #tpu.memory_space<hbm>>)
      tpu.yield
    }) : () -> ()
    return
  }
}

#map = affine_map<(d0, d1) -> (0, 0)>
#map1 = affine_map<(d0, d1) -> (0, 0, 0)>
module attributes {stable_mosaic.version = 14 : i64} {
  func.func @k(%arg0: i32, %arg1: i32, %arg2: memref<10000x128xf32, #tpu.memory_space<hbm>>, %arg3: memref<32x79x128xi32, #tpu.memory_space<hbm>>, %arg4: memref<32x79x128xi32, #tpu.memory_space<hbm>>, %arg5: memref<10112x128xf32, #tpu.memory_space<hbm>>, %arg6: memref<2x10112x128xf32, #tpu.memory_space<hbm>>, %arg7: memref<79x128xi32, #tpu.memory_space<vmem>>, %arg8: memref<79x128xi32, #tpu.memory_space<vmem>>, %arg9: memref<128x128xf32, #tpu.memory_space<vmem>>, %arg10: memref<10112x128xf32, #tpu.memory_space<vmem_shared>>, %arg11: memref<!tpu.dma_semaphore, #tpu.memory_space<semaphore_mem>>) attributes {dimension_semantics = [#tpu.dimension_semantics<core_parallel>, #tpu.dimension_semantics<subcore_parallel>], iteration_bounds = array<i64: 2, 16>, scalar_prefetch = 0 : i64, scratch_operands = 5 : i64, tpu.core_type = #tpu.core_type<sc_vector_subcore>, window_params = [{transform_indices = #map}, {transform_indices = #map1}, {transform_indices = #map1}, {transform_indices = #map}, {transform_indices = #map1}]} {
    %mul3A = arith.constant 16 : i32
    %mul3A_0 = arith.muli %arg0, %mul3A : i32
    %add3A = arith.addi %mul3A_0, %arg1 : i32
    "tpu.region"() ({
      %run_scoped3A = tpu.sem_alloc : memref<!tpu.dma_semaphore, #tpu.memory_space<semaphore_mem>>
      %dma_start3A = arith.constant 0 : i32
      %dma_start3A_14 = arith.constant 0 : i32
      %dma_start3A_15 = tpu.memref_slice %arg3[%add3A, %dma_start3A, %dma_start3A_14] : memref<32x79x128xi32, #tpu.memory_space<hbm>> -> memref<1x79x128xi32, #tpu.memory_space<hbm>>
      %dma_start3A_16 = tpu.memref_squeeze %dma_start3A_15 : memref<1x79x128xi32, #tpu.memory_space<hbm>> -> memref<79x128xi32, #tpu.memory_space<hbm>>
      %dma_start3A_17 = arith.constant 0 : i32
      %dma_start3A_18 = arith.constant 0 : i32
      %dma_start3A_19 = tpu.memref_slice %arg3[%add3A, %dma_start3A_17, %dma_start3A_18] : memref<32x79x128xi32, #tpu.memory_space<hbm>> -> memref<1x79x128xi32, #tpu.memory_space<hbm>>
      %dma_start3A_20 = tpu.memref_squeeze %dma_start3A_19 : memref<1x79x128xi32, #tpu.memory_space<hbm>> -> memref<79x128xi32, #tpu.memory_space<hbm>>
      tpu.enqueue_dma source(%dma_start3A_20 : memref<79x128xi32, #tpu.memory_space<hbm>>) target(%arg7 : memref<79x128xi32, #tpu.memory_space<vmem>>) target_semaphore(%run_scoped3A : memref<!tpu.dma_semaphore, #tpu.memory_space<semaphore_mem>>)
      %dma_wait3A = arith.constant 0 : i32
      %dma_wait3A_21 = arith.constant 0 : i32
      %dma_wait3A_22 = tpu.memref_slice %arg3[%add3A, %dma_wait3A, %dma_wait3A_21] : memref<32x79x128xi32, #tpu.memory_space<hbm>> -> memref<1x79x128xi32, #tpu.memory_space<hbm>>
      %dma_wait3A_23 = tpu.memref_squeeze %dma_wait3A_22 : memref<1x79x128xi32, #tpu.memory_space<hbm>> -> memref<79x128xi32, #tpu.memory_space<hbm>>
      %dma_wait3A_24 = arith.constant 0 : i32
      %dma_wait3A_25 = arith.constant 0 : i32
      %dma_wait3A_26 = tpu.memref_slice %arg3[%add3A, %dma_wait3A_24, %dma_wait3A_25] : memref<32x79x128xi32, #tpu.memory_space<hbm>> -> memref<1x79x128xi32, #tpu.memory_space<hbm>>
      %dma_wait3A_27 = tpu.memref_squeeze %dma_wait3A_26 : memref<1x79x128xi32, #tpu.memory_space<hbm>> -> memref<79x128xi32, #tpu.memory_space<hbm>>
      tpu.wait_dma2 semaphore(%run_scoped3A : memref<!tpu.dma_semaphore, #tpu.memory_space<semaphore_mem>>) src(%dma_wait3A_27 : memref<79x128xi32, #tpu.memory_space<hbm>>) dst(%arg7 : memref<79x128xi32, #tpu.memory_space<vmem>>)
      tpu.yield
    }) : () -> ()
    "tpu.region"() ({
      %run_scoped3A = tpu.sem_alloc : memref<!tpu.dma_semaphore, #tpu.memory_space<semaphore_mem>>
      %dma_start3A = arith.constant 0 : i32
      %dma_start3A_14 = arith.constant 0 : i32
      %dma_start3A_15 = tpu.memref_slice %arg4[%add3A, %dma_start3A, %dma_start3A_14] : memref<32x79x128xi32, #tpu.memory_space<hbm>> -> memref<1x79x128xi32, #tpu.memory_space<hbm>>
      %dma_start3A_16 = tpu.memref_squeeze %dma_start3A_15 : memref<1x79x128xi32, #tpu.memory_space<hbm>> -> memref<79x128xi32, #tpu.memory_space<hbm>>
      %dma_start3A_17 = arith.constant 0 : i32
      %dma_start3A_18 = arith.constant 0 : i32
      %dma_start3A_19 = tpu.memref_slice %arg4[%add3A, %dma_start3A_17, %dma_start3A_18] : memref<32x79x128xi32, #tpu.memory_space<hbm>> -> memref<1x79x128xi32, #tpu.memory_space<hbm>>
      %dma_start3A_20 = tpu.memref_squeeze %dma_start3A_19 : memref<1x79x128xi32, #tpu.memory_space<hbm>> -> memref<79x128xi32, #tpu.memory_space<hbm>>
      tpu.enqueue_dma source(%dma_start3A_20 : memref<79x128xi32, #tpu.memory_space<hbm>>) target(%arg8 : memref<79x128xi32, #tpu.memory_space<vmem>>) target_semaphore(%run_scoped3A : memref<!tpu.dma_semaphore, #tpu.memory_space<semaphore_mem>>)
      %dma_wait3A = arith.constant 0 : i32
      %dma_wait3A_21 = arith.constant 0 : i32
      %dma_wait3A_22 = tpu.memref_slice %arg4[%add3A, %dma_wait3A, %dma_wait3A_21] : memref<32x79x128xi32, #tpu.memory_space<hbm>> -> memref<1x79x128xi32, #tpu.memory_space<hbm>>
      %dma_wait3A_23 = tpu.memref_squeeze %dma_wait3A_22 : memref<1x79x128xi32, #tpu.memory_space<hbm>> -> memref<79x128xi32, #tpu.memory_space<hbm>>
      %dma_wait3A_24 = arith.constant 0 : i32
      %dma_wait3A_25 = arith.constant 0 : i32
      %dma_wait3A_26 = tpu.memref_slice %arg4[%add3A, %dma_wait3A_24, %dma_wait3A_25] : memref<32x79x128xi32, #tpu.memory_space<hbm>> -> memref<1x79x128xi32, #tpu.memory_space<hbm>>
      %dma_wait3A_27 = tpu.memref_squeeze %dma_wait3A_26 : memref<1x79x128xi32, #tpu.memory_space<hbm>> -> memref<79x128xi32, #tpu.memory_space<hbm>>
      tpu.wait_dma2 semaphore(%run_scoped3A : memref<!tpu.dma_semaphore, #tpu.memory_space<semaphore_mem>>) src(%dma_wait3A_27 : memref<79x128xi32, #tpu.memory_space<hbm>>) dst(%arg8 : memref<79x128xi32, #tpu.memory_space<vmem>>)
      tpu.yield
    }) : () -> ()
    %mul3A_1 = arith.constant 632 : i32
    %mul3A_2 = arith.muli %arg1, %mul3A_1 : i32
    %mul3A_3 = arith.constant 632 : i32
    %mul3A_4 = arith.muli %arg1, %mul3A_3 : i32
    "tpu.region"() ({
      %run_scoped3A = tpu.sem_alloc : memref<!tpu.dma_semaphore, #tpu.memory_space<semaphore_mem>>
      %dma_start3A = arith.constant 0 : i32
      %dma_start3A_14 = tpu.memref_slice %arg10[%mul3A_4, %dma_start3A] : memref<10112x128xf32, #tpu.memory_space<vmem_shared>> -> memref<632x128xf32, #tpu.memory_space<vmem_shared>>
      %dma_start3A_15 = arith.constant 0 : i32
      %dma_start3A_16 = tpu.memref_slice %arg5[%mul3A_2, %dma_start3A_15] : memref<10112x128xf32, #tpu.memory_space<hbm>> -> memref<632x128xf32, #tpu.memory_space<hbm>>
      tpu.enqueue_dma source(%dma_start3A_16 : memref<632x128xf32, #tpu.memory_space<hbm>>) target(%dma_start3A_14 : memref<632x128xf32, #tpu.memory_space<vmem_shared>>) target_semaphore(%run_scoped3A : memref<!tpu.dma_semaphore, #tpu.memory_space<semaphore_mem>>)
      %dma_wait3A = arith.constant 0 : i32
      %dma_wait3A_17 = tpu.memref_slice %arg10[%mul3A_4, %dma_wait3A] : memref<10112x128xf32, #tpu.memory_space<vmem_shared>> -> memref<632x128xf32, #tpu.memory_space<vmem_shared>>
      %dma_wait3A_18 = arith.constant 0 : i32
      %dma_wait3A_19 = tpu.memref_slice %arg5[%mul3A_2, %dma_wait3A_18] : memref<10112x128xf32, #tpu.memory_space<hbm>> -> memref<632x128xf32, #tpu.memory_space<hbm>>
      tpu.wait_dma2 semaphore(%run_scoped3A : memref<!tpu.dma_semaphore, #tpu.memory_space<semaphore_mem>>) src(%dma_wait3A_19 : memref<632x128xf32, #tpu.memory_space<hbm>>) dst(%dma_wait3A_17 : memref<632x128xf32, #tpu.memory_space<vmem_shared>>)
      tpu.yield
    }) : () -> ()
    %barrier3A = arith.constant 0 : index
    tpu.barrier barrier_id(%barrier3A)
    %scan3A = arith.constant 0 : i32
    %scan3A_5 = arith.constant 79 : i32
    %scan3A_6 = arith.addi %scan3A, %scan3A_5 : i32
    %scan3A_7 = arith.constant 1 : i32
    scf.for %scan3A_14 = %scan3A to %scan3A_6 step %scan3A_7  : i32 {
      %mul3A_15 = arith.constant 1 : i32
      %mul3A_16 = arith.muli %scan3A_14, %mul3A_15 : i32
      %add3A_17 = arith.constant 0 : i32
      %add3A_18 = arith.addi %add3A_17, %mul3A_16 : i32
      %dma_start3A = arith.constant 0 : i32
      %dma_start3A_19 = tpu.memref_slice %arg7[%add3A_18, %dma_start3A] : memref<79x128xi32, #tpu.memory_space<vmem>> -> memref<1x128xi32, #tpu.memory_space<vmem>>
      %dma_start3A_20 = tpu.memref_squeeze %dma_start3A_19 : memref<1x128xi32, #tpu.memory_space<vmem>> -> memref<128xi32, #tpu.memory_space<vmem>>
      %dma_start3A_21 = arith.constant 0 : i32
      %dma_start3A_22 = arith.constant 0 : i32
      %dma_start3A_23 = tpu.memref_slice %arg2[%dma_start3A_21, %dma_start3A_22] : memref<10000x128xf32, #tpu.memory_space<hbm>> -> memref<10000x128xf32, #tpu.memory_space<hbm>>
      tpu.enqueue_indirect_dma source(%dma_start3A_23 : memref<10000x128xf32, #tpu.memory_space<hbm>>) target(%arg9 : memref<128x128xf32, #tpu.memory_space<vmem>>) offsets(%dma_start3A_20 : memref<128xi32, #tpu.memory_space<vmem>>) semaphore(%arg11 : memref<!tpu.dma_semaphore, #tpu.memory_space<semaphore_mem>>)
      %dma_wait3A = arith.constant 0 : i32
      %dma_wait3A_24 = tpu.memref_slice %arg7[%add3A_18, %dma_wait3A] : memref<79x128xi32, #tpu.memory_space<vmem>> -> memref<1x128xi32, #tpu.memory_space<vmem>>
      %dma_wait3A_25 = tpu.memref_squeeze %dma_wait3A_24 : memref<1x128xi32, #tpu.memory_space<vmem>> -> memref<128xi32, #tpu.memory_space<vmem>>
      %dma_wait3A_26 = arith.constant 0 : i32
      %dma_wait3A_27 = arith.constant 0 : i32
      %dma_wait3A_28 = tpu.memref_slice %arg2[%dma_wait3A_26, %dma_wait3A_27] : memref<10000x128xf32, #tpu.memory_space<hbm>> -> memref<10000x128xf32, #tpu.memory_space<hbm>>
      tpu.wait_indirect_dma semaphore(%arg11 : memref<!tpu.dma_semaphore, #tpu.memory_space<semaphore_mem>>) src(%dma_wait3A_28 : memref<10000x128xf32, #tpu.memory_space<hbm>>) dst(%arg9 : memref<128x128xf32, #tpu.memory_space<vmem>>)
      "tpu.region"() ({
        %run_scoped3A = tpu.sem_alloc : memref<!tpu.dma_semaphore, #tpu.memory_space<semaphore_mem>>
        %dma_start3A_29 = arith.constant 0 : i32
        %dma_start3A_30 = tpu.memref_slice %arg8[%add3A_18, %dma_start3A_29] : memref<79x128xi32, #tpu.memory_space<vmem>> -> memref<1x128xi32, #tpu.memory_space<vmem>>
        %dma_start3A_31 = tpu.memref_squeeze %dma_start3A_30 : memref<1x128xi32, #tpu.memory_space<vmem>> -> memref<128xi32, #tpu.memory_space<vmem>>
        %dma_start3A_32 = arith.constant 0 : i32
        %dma_start3A_33 = arith.constant 0 : i32
        %dma_start3A_34 = tpu.memref_slice %arg10[%dma_start3A_32, %dma_start3A_33] : memref<10112x128xf32, #tpu.memory_space<vmem_shared>> -> memref<10112x128xf32, #tpu.memory_space<vmem_shared>>
        tpu.enqueue_indirect_dma source(%arg9 : memref<128x128xf32, #tpu.memory_space<vmem>>) target(%dma_start3A_34 : memref<10112x128xf32, #tpu.memory_space<vmem_shared>>) offsets(%dma_start3A_31 : memref<128xi32, #tpu.memory_space<vmem>>) semaphore(%run_scoped3A : memref<!tpu.dma_semaphore, #tpu.memory_space<semaphore_mem>>) {add = true}
        %dma_wait3A_35 = arith.constant 0 : i32
        %dma_wait3A_36 = tpu.memref_slice %arg8[%add3A_18, %dma_wait3A_35] : memref<79x128xi32, #tpu.memory_space<vmem>> -> memref<1x128xi32, #tpu.memory_space<vmem>>
        %dma_wait3A_37 = tpu.memref_squeeze %dma_wait3A_36 : memref<1x128xi32, #tpu.memory_space<vmem>> -> memref<128xi32, #tpu.memory_space<vmem>>
        %dma_wait3A_38 = arith.constant 0 : i32
        %dma_wait3A_39 = arith.constant 0 : i32
        %dma_wait3A_40 = tpu.memref_slice %arg10[%dma_wait3A_38, %dma_wait3A_39] : memref<10112x128xf32, #tpu.memory_space<vmem_shared>> -> memref<10112x128xf32, #tpu.memory_space<vmem_shared>>
        tpu.wait_indirect_dma semaphore(%run_scoped3A : memref<!tpu.dma_semaphore, #tpu.memory_space<semaphore_mem>>) src(%arg9 : memref<128x128xf32, #tpu.memory_space<vmem>>) dst(%dma_wait3A_40 : memref<10112x128xf32, #tpu.memory_space<vmem_shared>>)
        tpu.yield
      }) : () -> ()
    }
    %scan3A_8 = arith.constant 79 : i32
    %barrier3A_9 = arith.constant 0 : index
    tpu.barrier barrier_id(%barrier3A_9)
    %mul3A_10 = arith.constant 632 : i32
    %mul3A_11 = arith.muli %arg1, %mul3A_10 : i32
    %mul3A_12 = arith.constant 632 : i32
    %mul3A_13 = arith.muli %arg1, %mul3A_12 : i32
    "tpu.region"() ({
      %run_scoped3A = tpu.sem_alloc : memref<!tpu.dma_semaphore, #tpu.memory_space<semaphore_mem>>
      %dma_start3A = arith.constant 0 : i32
      %dma_start3A_14 = tpu.memref_slice %arg6[%arg0, %mul3A_13, %dma_start3A] : memref<2x10112x128xf32, #tpu.memory_space<hbm>> -> memref<1x632x128xf32, #tpu.memory_space<hbm>>
      %dma_start3A_15 = tpu.memref_squeeze %dma_start3A_14 : memref<1x632x128xf32, #tpu.memory_space<hbm>> -> memref<632x128xf32, #tpu.memory_space<hbm>>
      %dma_start3A_16 = arith.constant 0 : i32
      %dma_start3A_17 = tpu.memref_slice %arg10[%mul3A_11, %dma_start3A_16] : memref<10112x128xf32, #tpu.memory_space<vmem_shared>> -> memref<632x128xf32, #tpu.memory_space<vmem_shared>>
      tpu.enqueue_dma source(%dma_start3A_17 : memref<632x128xf32, #tpu.memory_space<vmem_shared>>) target(%dma_start3A_15 : memref<632x128xf32, #tpu.memory_space<hbm>>) target_semaphore(%run_scoped3A : memref<!tpu.dma_semaphore, #tpu.memory_space<semaphore_mem>>)
      %dma_wait3A = arith.constant 0 : i32
      %dma_wait3A_18 = tpu.memref_slice %arg6[%arg0, %mul3A_13, %dma_wait3A] : memref<2x10112x128xf32, #tpu.memory_space<hbm>> -> memref<1x632x128xf32, #tpu.memory_space<hbm>>
      %dma_wait3A_19 = tpu.memref_squeeze %dma_wait3A_18 : memref<1x632x128xf32, #tpu.memory_space<hbm>> -> memref<632x128xf32, #tpu.memory_space<hbm>>
      %dma_wait3A_20 = arith.constant 0 : i32
      %dma_wait3A_21 = tpu.memref_slice %arg10[%mul3A_11, %dma_wait3A_20] : memref<10112x128xf32, #tpu.memory_space<vmem_shared>> -> memref<632x128xf32, #tpu.memory_space<vmem_shared>>
      tpu.wait_dma2 semaphore(%run_scoped3A : memref<!tpu.dma_semaphore, #tpu.memory_space<semaphore_mem>>) src(%dma_wait3A_21 : memref<632x128xf32, #tpu.memory_space<vmem_shared>>) dst(%dma_wait3A_19 : memref<632x128xf32, #tpu.memory_space<hbm>>)
      tpu.yield
    }) : () -> ()
    return
  }
}

module attributes {stable_mosaic.version = 14 : i64} {
  func.func @body(%arg0: i32, %arg1: memref<1000x128xf32, #tpu.memory_space<vmem>>, %arg2: memref<128x128xf32, #tpu.memory_space<vmem>>, %arg3: memref<1000x128xf32, #tpu.memory_space<vmem>>) attributes {dimension_semantics = [#tpu.dimension_semantics<arbitrary>], iteration_bounds = array<i64: 10>, scalar_prefetch = 0 : i64, scratch_operands = 0 : i64, tpu.core_type = #tpu.core_type<tc>, window_params = [{transform_indices = @transform_0, window_bounds = array<i64: 1000, 128>}, {pipeline_mode = #tpu.pipeline_mode<synchronous>, transform_indices = @transform_1, window_bounds = array<i64: 128, 128>}, {transform_indices = @transform_2, window_bounds = array<i64: 1000, 128>}]} {
    %get3A = arith.constant 0 : index
    %get3A_0 = arith.constant 0 : index
    %get3A_1 = vector.load %arg1[%get3A, %get3A_0] : memref<1000x128xf32, #tpu.memory_space<vmem>>, vector<1000x128xf32>
    %get3A_2 = arith.constant 0 : index
    %get3A_3 = arith.constant 0 : index
    %get3A_4 = vector.load %arg2[%get3A_2, %get3A_3] : memref<128x128xf32, #tpu.memory_space<vmem>>, vector<128x128xf32>
    %dot_general3A = arith.constant dense<0.000000e+00> : vector<1000x128xf32>
    %dot_general3A_5 = tpu.matmul %get3A_1, %get3A_4, %dot_general3A {dimension_numbers = #tpu.dot_dimension_numbers<[1], [0], [0], [1], [0, 0, 1, 1], [], []>, transpose_lhs_hint = false} : vector<1000x128xf32>, vector<128x128xf32>, vector<1000x128xf32> -> vector<1000x128xf32>
    %swap3A = arith.constant 0 : index
    %swap3A_6 = arith.constant 0 : index
    %swap3A_7 = vector.load %arg3[%swap3A, %swap3A_6] : memref<1000x128xf32, #tpu.memory_space<vmem>>, vector<1000x128xf32>
    tpu.vector_store %arg3[%swap3A, %swap3A_6], %dot_general3A_5 {strides = array<i32>} : memref<1000x128xf32, #tpu.memory_space<vmem>>, vector<1000x128xf32>,
    return
  }
  func.func @transform_0(%arg0: i32) -> (i32, i32) {
    %c0_i32 = arith.constant 0 : i32
    %c0_i32_0 = arith.constant 0 : i32
    return %arg0, %c0_i32 : i32, i32
  }
  func.func @transform_1(%arg0: i32) -> (i32, i32) {
    %c0_i32 = arith.constant 0 : i32
    %c0_i32_0 = arith.constant 0 : i32
    %c0_i32_1 = arith.constant 0 : i32
    return %c0_i32, %c0_i32_0 : i32, i32
  }
  func.func @transform_2(%arg0: i32) -> (i32, i32) {
    %c0_i32 = arith.constant 0 : i32
    %c0_i32_0 = arith.constant 0 : i32
    return %arg0, %c0_i32 : i32, i32
  }
}

module attributes {stable_mosaic.version = 14 : i64} {
  func.func @body(%arg0: memref<32x10112xf32, #tpu.memory_space<vmem>>, %arg1: memref<10112x1xf32, #tpu.memory_space<vmem>>) attributes {dimension_semantics = [], scalar_prefetch = 0 : i64, scratch_operands = 0 : i64, tpu.core_type = #tpu.core_type<tc>} {
    %get3A = arith.constant 0 : index
    %get3A_0 = arith.constant 0 : index
    %get3A_1 = vector.load %arg0[%get3A, %get3A_0] : memref<32x10112xf32, #tpu.memory_space<vmem>>, vector<32x10112xf32>
    %reduce_sum3A = arith.constant dense<0.000000e+00> : vector<10112xf32>
    %reduce_sum3A_2 = vector.multi_reduction <add>, %get3A_1, %reduce_sum3A [0] : vector<32x10112xf32> to vector<10112xf32>
    %add3A = arith.constant 1.000000e+00 : f32
    %add3A_3 = vector.broadcast %add3A : f32 to vector<10112xf32>
    %add3A_4 = arith.addf %reduce_sum3A_2, %add3A_3 : vector<10112xf32>
    %rsqrt3A = math.rsqrt %add3A_4 : vector<10112xf32>
    %broadcast_in_dim3A = vector.shape_cast %rsqrt3A : vector<10112xf32> to vector<10112x1xf32>
    %swap3A = arith.constant 0 : index
    %swap3A_5 = arith.constant 0 : index
    %swap3A_6 = vector.load %arg1[%swap3A, %swap3A_5] : memref<10112x1xf32, #tpu.memory_space<vmem>>, vector<10112x1xf32>
    tpu.vector_store %arg1[%swap3A, %swap3A_5], %broadcast_in_dim3A {strides = array<i32>} : memref<10112x1xf32, #tpu.memory_space<vmem>>, vector<10112x1xf32>,
    return
  }
}

module attributes {stable_mosaic.version = 14 : i64} {
  func.func @body(%arg0: i32, %arg1: memref<1000x1xf32, #tpu.memory_space<vmem>>, %arg2: memref<1000x128xf32, #tpu.memory_space<vmem>>, %arg3: memref<1000x128xf32, #tpu.memory_space<vmem>>) attributes {dimension_semantics = [#tpu.dimension_semantics<arbitrary>], iteration_bounds = array<i64: 10>, scalar_prefetch = 0 : i64, scratch_operands = 0 : i64, tpu.core_type = #tpu.core_type<tc>, window_params = [{transform_indices = @transform_0, window_bounds = array<i64: 1000, 1>}, {transform_indices = @transform_1, window_bounds = array<i64: 1000, 128>}, {transform_indices = @transform_2, window_bounds = array<i64: 1000, 128>}]} {
    %get3A = arith.constant 0 : index
    %get3A_0 = arith.constant 0 : index
    %get3A_1 = vector.load %arg1[%get3A, %get3A_0] : memref<1000x1xf32, #tpu.memory_space<vmem>>, vector<1000x1xf32>
    %get3A_2 = arith.constant 0 : index
    %get3A_3 = arith.constant 0 : index
    %get3A_4 = vector.load %arg2[%get3A_2, %get3A_3] : memref<1000x128xf32, #tpu.memory_space<vmem>>, vector<1000x128xf32>
    %mul3A = vector.broadcast %get3A_1 : vector<1000x1xf32> to vector<1000x128xf32>
    %mul3A_5 = arith.mulf %mul3A, %get3A_4 : vector<1000x128xf32>
    %swap3A = arith.constant 0 : index
    %swap3A_6 = arith.constant 0 : index
    %swap3A_7 = vector.load %arg3[%swap3A, %swap3A_6] : memref<1000x128xf32, #tpu.memory_space<vmem>>, vector<1000x128xf32>
    tpu.vector_store %arg3[%swap3A, %swap3A_6], %mul3A_5 {strides = array<i32>} : memref<1000x128xf32, #tpu.memory_space<vmem>>, vector<1000x128xf32>,
    return
  }
  func.func @transform_0(%arg0: i32) -> (i32, i32) {
    %c0_i32 = arith.constant 0 : i32
    %c0_i32_0 = arith.constant 0 : i32
    return %arg0, %c0_i32 : i32, i32
  }
  func.func @transform_1(%arg0: i32) -> (i32, i32) {
    %c0_i32 = arith.constant 0 : i32
    %c0_i32_0 = arith.constant 0 : i32
    return %arg0, %c0_i32 : i32, i32
  }
  func.func @transform_2(%arg0: i32) -> (i32, i32) {
    %c0_i32 = arith.constant 0 : i32
    %c0_i32_0 = arith.constant 0 : i32
    return %arg0, %c0_i32 : i32, i32
  }
}

module attributes {stable_mosaic.version = 14 : i64} {
  func.func @body(%arg0: memref<2x10112x128xf32, #tpu.memory_space<vmem>>, %arg1: memref<10000x128xf32, #tpu.memory_space<vmem>>, %arg2: memref<10112x1xf32, #tpu.memory_space<vmem>>, %arg3: memref<1x128xf32, #tpu.memory_space<vmem>>, %arg4: memref<1x128xf32, #tpu.memory_space<vmem>>, %arg5: memref<1x128xf32, #tpu.memory_space<vmem>>, %arg6: memref<10000x128xf32, #tpu.memory_space<vmem>>) attributes {dimension_semantics = [], scalar_prefetch = 0 : i64, scratch_operands = 0 : i64, tpu.core_type = #tpu.core_type<tc>} {
    %get3A = arith.constant 0 : index
    %get3A_0 = arith.constant 0 : index
    %get3A_1 = vector.load %arg2[%get3A, %get3A_0] : memref<10112x1xf32, #tpu.memory_space<vmem>>, vector<10000x1xf32>
    %get3A_2 = vector.shape_cast %get3A_1 : vector<10000x1xf32> to vector<10000xf32>
    %broadcast_in_dim3A = vector.shape_cast %get3A_2 : vector<10000xf32> to vector<10000x1xf32>
    %get3A_3 = arith.constant 0 : index
    %get3A_4 = arith.constant 0 : index
    %get3A_5 = arith.constant 0 : index
    %get3A_6 = vector.load %arg0[%get3A_3, %get3A_4, %get3A_5] : memref<2x10112x128xf32, #tpu.memory_space<vmem>>, vector<1x10000x128xf32>
    %get3A_7 = vector.shape_cast %get3A_6 : vector<1x10000x128xf32> to vector<10000x128xf32>
    %get3A_8 = arith.constant 1 : index
    %get3A_9 = arith.constant 0 : index
    %get3A_10 = arith.constant 0 : index
    %get3A_11 = vector.load %arg0[%get3A_8, %get3A_9, %get3A_10] : memref<2x10112x128xf32, #tpu.memory_space<vmem>>, vector<1x10000x128xf32>
    %get3A_12 = vector.shape_cast %get3A_11 : vector<1x10000x128xf32> to vector<10000x128xf32>
    %add3A = arith.addf %get3A_7, %get3A_12 : vector<10000x128xf32>
    %get3A_13 = arith.constant 0 : index
    %get3A_14 = arith.constant 0 : index
    %get3A_15 = vector.load %arg1[%get3A_13, %get3A_14] : memref<10000x128xf32, #tpu.memory_space<vmem>>, vector<10000x128xf32>
    %add3A_16 = arith.addf %add3A, %get3A_15 : vector<10000x128xf32>
    %mul3A = vector.broadcast %broadcast_in_dim3A : vector<10000x1xf32> to vector<10000x128xf32>
    %mul3A_17 = arith.mulf %mul3A, %add3A_16 : vector<10000x128xf32>
    %get3A_18 = arith.constant 0 : index
    %get3A_19 = arith.constant 0 : index
    %get3A_20 = vector.load %arg3[%get3A_18, %get3A_19] : memref<1x128xf32, #tpu.memory_space<vmem>>, vector<1x128xf32>
    %get3A_21 = vector.shape_cast %get3A_20 : vector<1x128xf32> to vector<128xf32>
    %broadcast_in_dim3A_22 = vector.shape_cast %get3A_21 : vector<128xf32> to vector<1x128xf32>
    %add3A_23 = vector.broadcast %broadcast_in_dim3A_22 : vector<1x128xf32> to vector<10000x128xf32>
    %add3A_24 = arith.addf %mul3A_17, %add3A_23 : vector<10000x128xf32>
    %reduce_sum3A = arith.constant dense<0.000000e+00> : vector<128xf32>
    %reduce_sum3A_25 = vector.multi_reduction <add>, %add3A_24, %reduce_sum3A [0] : vector<10000x128xf32> to vector<128xf32>
    %div3A = arith.constant 1.000000e+04 : f32
    %div3A_26 = vector.broadcast %div3A : f32 to vector<128xf32>
    %div3A_27 = arith.divf %reduce_sum3A_25, %div3A_26 : vector<128xf32>
    %broadcast_in_dim3A_28 = vector.shape_cast %div3A_27 : vector<128xf32> to vector<1x128xf32>
    %sub3A = vector.broadcast %broadcast_in_dim3A_28 : vector<1x128xf32> to vector<10000x128xf32>
    %sub3A_29 = arith.subf %add3A_24, %sub3A : vector<10000x128xf32>
    %integer_pow3A = arith.mulf %sub3A_29, %sub3A_29 : vector<10000x128xf32>
    %reduce_sum3A_30 = arith.constant dense<0.000000e+00> : vector<128xf32>
    %reduce_sum3A_31 = vector.multi_reduction <add>, %integer_pow3A, %reduce_sum3A_30 [0] : vector<10000x128xf32> to vector<128xf32>
    %div3A_32 = arith.constant 1.000000e+04 : f32
    %div3A_33 = vector.broadcast %div3A_32 : f32 to vector<128xf32>
    %div3A_34 = arith.divf %reduce_sum3A_31, %div3A_33 : vector<128xf32>
    %broadcast_in_dim3A_35 = vector.shape_cast %div3A_27 : vector<128xf32> to vector<1x128xf32>
    %sub3A_36 = vector.broadcast %broadcast_in_dim3A_35 : vector<1x128xf32> to vector<10000x128xf32>
    %sub3A_37 = arith.subf %add3A_24, %sub3A_36 : vector<10000x128xf32>
    %add3A_38 = arith.constant 9.99999974E-6 : f32
    %add3A_39 = vector.broadcast %add3A_38 : f32 to vector<128xf32>
    %add3A_40 = arith.addf %div3A_34, %add3A_39 : vector<128xf32>
    %rsqrt3A = math.rsqrt %add3A_40 : vector<128xf32>
    %broadcast_in_dim3A_41 = vector.shape_cast %rsqrt3A : vector<128xf32> to vector<1x128xf32>
    %mul3A_42 = vector.broadcast %broadcast_in_dim3A_41 : vector<1x128xf32> to vector<10000x128xf32>
    %mul3A_43 = arith.mulf %sub3A_37, %mul3A_42 : vector<10000x128xf32>
    %get3A_44 = arith.constant 0 : index
    %get3A_45 = arith.constant 0 : index
    %get3A_46 = vector.load %arg4[%get3A_44, %get3A_45] : memref<1x128xf32, #tpu.memory_space<vmem>>, vector<1x128xf32>
    %get3A_47 = vector.shape_cast %get3A_46 : vector<1x128xf32> to vector<128xf32>
    %broadcast_in_dim3A_48 = vector.shape_cast %get3A_47 : vector<128xf32> to vector<1x128xf32>
    %mul3A_49 = vector.broadcast %broadcast_in_dim3A_48 : vector<1x128xf32> to vector<10000x128xf32>
    %mul3A_50 = arith.mulf %mul3A_43, %mul3A_49 : vector<10000x128xf32>
    %get3A_51 = arith.constant 0 : index
    %get3A_52 = arith.constant 0 : index
    %get3A_53 = vector.load %arg5[%get3A_51, %get3A_52] : memref<1x128xf32, #tpu.memory_space<vmem>>, vector<1x128xf32>
    %get3A_54 = vector.shape_cast %get3A_53 : vector<1x128xf32> to vector<128xf32>
    %broadcast_in_dim3A_55 = vector.shape_cast %get3A_54 : vector<128xf32> to vector<1x128xf32>
    %add3A_56 = vector.broadcast %broadcast_in_dim3A_55 : vector<1x128xf32> to vector<10000x128xf32>
    %add3A_57 = arith.addf %mul3A_50, %add3A_56 : vector<10000x128xf32>
    %broadcast_in_dim3A_58 = vector.shape_cast %get3A_2 : vector<10000xf32> to vector<10000x1xf32>
    %max3A = arith.constant 0.000000e+00 : f32
    %max3A_59 = vector.broadcast %max3A : f32 to vector<10000x128xf32>
    %max3A_60 = arith.maximumf %add3A_57, %max3A_59 : vector<10000x128xf32>
    %mul3A_61 = vector.broadcast %broadcast_in_dim3A_58 : vector<10000x1xf32> to vector<10000x128xf32>
    %mul3A_62 = arith.mulf %mul3A_61, %max3A_60 : vector<10000x128xf32>
    %swap3A = arith.constant 0 : index
    %swap3A_63 = arith.constant 0 : index
    %swap3A_64 = vector.load %arg6[%swap3A, %swap3A_63] : memref<10000x128xf32, #tpu.memory_space<vmem>>, vector<10000x128xf32>
    tpu.vector_store %arg6[%swap3A, %swap3A_63], %mul3A_62 {strides = array<i32>} : memref<10000x128xf32, #tpu.memory_space<vmem>>, vector<10000x128xf32>,
    return
  }
}

module attributes {stable_mosaic.version = 14 : i64} {
  func.func @body(%arg0: i32, %arg1: memref<2x1000x128xf32, #tpu.memory_space<vmem>>, %arg2: memref<1000x128xf32, #tpu.memory_space<vmem>>, %arg3: memref<1000x1xf32, #tpu.memory_space<vmem>>, %arg4: memref<128x128xf32, #tpu.memory_space<vmem>>, %arg5: memref<1x128xf32, #tpu.memory_space<vmem>>, %arg6: memref<1000x128xf32, #tpu.memory_space<vmem>>) attributes {dimension_semantics = [#tpu.dimension_semantics<arbitrary>], iteration_bounds = array<i64: 10>, scalar_prefetch = 0 : i64, scratch_operands = 0 : i64, tpu.core_type = #tpu.core_type<tc>, window_params = [{transform_indices = @transform_0, window_bounds = array<i64: 2, 1000, 128>}, {transform_indices = @transform_1, window_bounds = array<i64: 1000, 128>}, {transform_indices = @transform_2, window_bounds = array<i64: 1000, 1>}, {pipeline_mode = #tpu.pipeline_mode<synchronous>, transform_indices = @transform_3, window_bounds = array<i64: 128, 128>}, {pipeline_mode = #tpu.pipeline_mode<synchronous>, transform_indices = @transform_4, window_bounds = array<i64: 1, 128>}, {transform_indices = @transform_5, window_bounds = array<i64: 1000, 128>}]} {
    %get3A = arith.constant 0 : index
    %get3A_0 = arith.constant 0 : index
    %get3A_1 = vector.load %arg3[%get3A, %get3A_0] : memref<1000x1xf32, #tpu.memory_space<vmem>>, vector<1000x1xf32>
    %get3A_2 = arith.constant 0 : index
    %get3A_3 = arith.constant 0 : index
    %get3A_4 = arith.constant 0 : index
    %get3A_5 = vector.load %arg1[%get3A_2, %get3A_3, %get3A_4] : memref<2x1000x128xf32, #tpu.memory_space<vmem>>, vector<1x1000x128xf32>
    %get3A_6 = vector.shape_cast %get3A_5 : vector<1x1000x128xf32> to vector<1000x128xf32>
    %get3A_7 = arith.constant 1 : index
    %get3A_8 = arith.constant 0 : index
    %get3A_9 = arith.constant 0 : index
    %get3A_10 = vector.load %arg1[%get3A_7, %get3A_8, %get3A_9] : memref<2x1000x128xf32, #tpu.memory_space<vmem>>, vector<1x1000x128xf32>
    %get3A_11 = vector.shape_cast %get3A_10 : vector<1x1000x128xf32> to vector<1000x128xf32>
    %add3A = arith.addf %get3A_6, %get3A_11 : vector<1000x128xf32>
    %get3A_12 = arith.constant 0 : index
    %get3A_13 = arith.constant 0 : index
    %get3A_14 = vector.load %arg2[%get3A_12, %get3A_13] : memref<1000x128xf32, #tpu.memory_space<vmem>>, vector<1000x128xf32>
    %add3A_15 = arith.addf %add3A, %get3A_14 : vector<1000x128xf32>
    %mul3A = vector.broadcast %get3A_1 : vector<1000x1xf32> to vector<1000x128xf32>
    %mul3A_16 = arith.mulf %mul3A, %add3A_15 : vector<1000x128xf32>
    %get3A_17 = arith.constant 0 : index
    %get3A_18 = arith.constant 0 : index
    %get3A_19 = vector.load %arg4[%get3A_17, %get3A_18] : memref<128x128xf32, #tpu.memory_space<vmem>>, vector<128x128xf32>
    %dot_general3A = arith.constant dense<0.000000e+00> : vector<1000x128xf32>
    %dot_general3A_20 = tpu.matmul %mul3A_16, %get3A_19, %dot_general3A {dimension_numbers = #tpu.dot_dimension_numbers<[1], [0], [0], [1], [0, 0, 1, 1], [], []>, transpose_lhs_hint = false} : vector<1000x128xf32>, vector<128x128xf32>, vector<1000x128xf32> -> vector<1000x128xf32>
    %get3A_21 = arith.constant 0 : index
    %get3A_22 = arith.constant 0 : index
    %get3A_23 = vector.load %arg5[%get3A_21, %get3A_22] : memref<1x128xf32, #tpu.memory_space<vmem>>, vector<1x128xf32>
    %get3A_24 = vector.shape_cast %get3A_23 : vector<1x128xf32> to vector<128xf32>
    %broadcast_in_dim3A = vector.shape_cast %get3A_24 : vector<128xf32> to vector<1x128xf32>
    %add3A_25 = vector.broadcast %broadcast_in_dim3A : vector<1x128xf32> to vector<1000x128xf32>
    %add3A_26 = arith.addf %dot_general3A_20, %add3A_25 : vector<1000x128xf32>
    %swap3A = arith.constant 0 : index
    %swap3A_27 = arith.constant 0 : index
    %swap3A_28 = vector.load %arg6[%swap3A, %swap3A_27] : memref<1000x128xf32, #tpu.memory_space<vmem>>, vector<1000x128xf32>
    tpu.vector_store %arg6[%swap3A, %swap3A_27], %add3A_26 {strides = array<i32>} : memref<1000x128xf32, #tpu.memory_space<vmem>>, vector<1000x128xf32>,
    return
  }
  func.func @transform_0(%arg0: i32) -> (i32, i32, i32) {
    %c0_i32 = arith.constant 0 : i32
    %c0_i32_0 = arith.constant 0 : i32
    %c0_i32_1 = arith.constant 0 : i32
    return %c0_i32, %arg0, %c0_i32_0 : i32, i32, i32
  }
  func.func @transform_1(%arg0: i32) -> (i32, i32) {
    %c0_i32 = arith.constant 0 : i32
    %c0_i32_0 = arith.constant 0 : i32
    return %arg0, %c0_i32 : i32, i32
  }
  func.func @transform_2(%arg0: i32) -> (i32, i32) {
    %c0_i32 = arith.constant 0 : i32
    %c0_i32_0 = arith.constant 0 : i32
    return %arg0, %c0_i32 : i32, i32
  }
  func.func @transform_3(%arg0: i32) -> (i32, i32) {
    %c0_i32 = arith.constant 0 : i32
    %c0_i32_0 = arith.constant 0 : i32
    %c0_i32_1 = arith.constant 0 : i32
    return %c0_i32, %c0_i32_0 : i32, i32
  }
  func.func @transform_4(%arg0: i32) -> (i32, i32) {
    %c0_i32 = arith.constant 0 : i32
    %c0_i32_0 = arith.constant 0 : i32
    %c0_i32_1 = arith.constant 0 : i32
    return %c0_i32, %c0_i32_0 : i32, i32
  }
  func.func @transform_5(%arg0: i32) -> (i32, i32) {
    %c0_i32 = arith.constant 0 : i32
    %c0_i32_0 = arith.constant 0 : i32
    return %arg0, %c0_i32 : i32, i32
  }
}

</mosaic_0001>

<sc_bundles>
// kernel: kernel.10.cloned.1.call-start
scs
__scs_entry_jumppad:
0x0: {  	(pc) =	sbr.rel $0x88, $3  }
0x1: {  	(tag) =	ssettag $0x0;
	lr =	simm.s32 $0x1  }
0x2: {  	[smem:$0x3F97] =	sst lr;
	_ =	strace $0xD0000000  }
0x3: {  	_ = 	snop  }
0x4: {  	_ = 	snop  }
0x5: {  	_ = 	snop  }
0x6: {  	_ = 	snop  }
0x7: {  	_ = 	snop  }
__scs_overlays_trampoline_lowered:
0x8: {  	[smem:$0x3FA6] =	sst s0  }
0x9: {  	[smem:$0x3FA7] =	sst s1  }
0xa: {  	[smem:$0x3FA8] =	sst s2  }
0xb: {  	[smem:$0x3FA9] =	sst s3  }
0xc: {  	[smem:$0x3FAA] =	sst s4  }
0xd: {  	[smem:$0x3FAB] =	sst s5  }
0xe: {  	[smem:$0x3FAC] =	sst s6  }
0xf: {  	[smem:$0x3FAD] =	sst s7  }
0x10: {  	[smem:$0x3FAE] =	sst s8  }
0x11: {  	[smem:$0x3FAF] =	sst s9;
	s0 =	simm.s32 @!p0 $0x0  }
0x12: {  	s1 =	sld [smem:$0x3F95];
	s0 =	simm.s32 @p0 $0x1  }
0x13: {  	[smem:$0x3FB0] =	sst s0;
	s0 =	simm.s32 @!p1 $0x0  }
0x14: {  	s2 =	sld [smem:$0x3F94];
	s0 =	simm.s32 @p1 $0x1  }
0x15: {  	[smem:$0x3FB1] =	sst s0;
	s0 =	simm.s32 @!p2 $0x0  }
0x16: {  	s3 =	sld [smem:$0x3FDB];
	s0 =	simm.s32 @p2 $0x1  }
0x17: {  	s4 =	simm.s32 $0x1BF5;
	[smem:$0x3FB3] =	sst s0  }
0x18: {  	s0 =	sld [smem:$0x3F96];
	_ =	swait.ge [sflag:s4], $0x0  }
0x19: {  	s7 =	sld [smem:$0x3F97]  }
0x1a: {  	s8 =	sadd.s32 $0xFFFFE003, lr  }
0x1b: {  	s9 =	sadd.s32 $0xFFFFFEF7, lr;
	s5 =	simm.s32 $0xFFFFFFFF;
	p2 =	slt.u32 s8, $0xFFFFF086  }
0x1c: {  	p1 =	slt.u32 s9, $0xF7A;
	s5 =	simm.s32 @!p2 $0x0  }
0x1d: {  	s5 =	simm.s32 @p1 $0x1;
	p0 =	seq.s32 s7, s2  }
0x1e: {  	s7 =	smul.u32 @!p0 $0xF7A, s2;
	p2 =	seq.s32 @!p0 s5, $0x0  }
0x1f: {  	s9 =	smul.u32 $0xF7A, s1;
	s8 =	simm.s32 @!p0 $0x1BF5;
	p2 =	por !p2, p0  }
0x20: {  	[sflag:s8] =	ssyncset.s32 @!p0 $0xFFFFF086;
	s6 =	sadd.s32 @!p0 s3, s7;
	s7 =	simm.s32 @!p0 $0x108  }
0x21: {  	s3 =	sadd.s32 s3, s9;
	s6 =	sadd.s32 @!p0 $0x88, s6;
	s7 =	simm.s32 @p2 $0x1082  }
0x22: {  	[simem:s7], [sflag:s8] =	dma.local @!p0 [hbm:s6], $0xF7A  }
0x23: {  	s9 =	sor.u32 $0xD0000000, s2;
	s6 =	simm.s32 $0x108;
	_ =	swait.ge @!p0 [sflag:s8], $0x0  }
0x24: {  	s3 =	sadd.s32 $0x88, s3;
	s6 =	simm.s32 @!p1 $0x1082;
	[sflag:s4] =	ssyncset.s32 $0xFFFFF086  }
0x25: {  	[simem:s6], [sflag:s4] =	dma.local [hbm:s3], $0xF7A  }
0x26: {  	[smem:$0x3F97] =	sst s1;
	(tag) =	ssettag s2;
	_ =	strace s9  }
0x27: {  	s1 =	sld [smem:$0x3FA7]  }
0x28: {  	s2 =	sld [smem:$0x3FA8]  }
0x29: {  	s4 =	sld [smem:$0x3FAA]  }
0x2a: {  	p0 =	seq.s32 s5, $0x0;
	s5 =	sld [smem:$0x3FAB]  }
0x2b: {  	s6 =	sld [smem:$0x3FAC]  }
0x2c: {  	s7 =	sld [smem:$0x3FAD]  }
0x2d: {  	s3 =	simm.s32 $0x108;
	s8 =	sld [smem:$0x3FAE]  }
0x2e: {  	s3 =	simm.s32 @!p0 $0x1082;
	s9 =	sld [smem:$0x3FAF]  }
0x2f: {  	lr =	sadd.s32 s0, s3;
	s0 =	sld [smem:$0x3FA6]  }
0x30: {  	s3 =	sld [smem:$0x3FA9]  }
0x31: {  	[smem:$0x3FB2] =	sst s10  }
0x32: {  	s10 =	sld [smem:$0x3FB0];
	_ =	sdelay $0x3  }
0x33: {  	p0 =	seq.s32 s10, $0x1;
	s10 =	sld [smem:$0x3FB2];
	_ =	sdelay $0x3  }
0x34: {  	[smem:$0x3FB2] =	sst s10  }
0x35: {  	s10 =	sld [smem:$0x3FB1];
	_ =	sdelay $0x3  }
0x36: {  	p1 =	seq.s32 s10, $0x1;
	s10 =	sld [smem:$0x3FB2];
	_ =	sdelay $0x3  }
0x37: {  	[smem:$0x3FB2] =	sst s10  }
0x38: {  	s10 =	sld [smem:$0x3FB3]  }
0x39: {  	_ = 	snop;
	(pc) =	sbr.ind lr, $3  }
0x3a: {  	_ = 	snop  }
0x3b: {  	_ = 	snop  }
0x3c: {  	p2 =	seq.s32 s10, $0x1;
	s10 =	sld [smem:$0x3FB2]  }
0x3d: {  	_ =	shalt  }
0x3e: {  	_ =	shalt  }
0x3f: {  	_ =	shalt  }
0x40: {  	_ =	shalt  }
0x41: {  	_ =	shalt  }
0x42: {  	_ =	shalt  }
0x43: {  	_ =	shalt  }
0x44: {  	_ =	shalt  }
0x45: {  	_ =	shalt  }
0x46: {  	_ =	shalt  }
0x47: {  	_ =	shalt  }
0x48: {  	_ =	shalt  }
0x49: {  	_ =	shalt  }
0x4a: {  	_ =	shalt  }
0x4b: {  	_ =	shalt  }
0x4c: {  	_ =	shalt  }
0x4d: {  	_ =	shalt  }
0x4e: {  	_ =	shalt  }
0x4f: {  	_ =	shalt  }
0x50: {  	_ =	shalt  }
0x51: {  	_ =	shalt  }
0x52: {  	_ =	shalt  }
0x53: {  	_ =	shalt  }
0x54: {  	_ =	shalt  }
0x55: {  	_ =	shalt  }
0x56: {  	_ =	shalt  }
0x57: {  	_ =	shalt  }
0x58: {  	_ =	shalt  }
0x59: {  	_ =	shalt  }
0x5a: {  	_ =	shalt  }
0x5b: {  	_ =	shalt  }
0x5c: {  	_ =	shalt  }
0x5d: {  	_ =	shalt  }
0x5e: {  	_ =	shalt  }
0x5f: {  	_ =	shalt  }
0x60: {  	_ =	shalt  }
0x61: {  	_ =	shalt  }
0x62: {  	_ =	shalt  }
0x63: {  	_ =	shalt  }
0x64: {  	_ =	shalt  }
0x65: {  	_ =	shalt  }
0x66: {  	_ =	shalt  }
0x67: {  	_ =	shalt  }
0x68: {  	_ =	shalt  }
0x69: {  	_ =	shalt  }
0x6a: {  	_ =	shalt  }
0x6b: {  	_ =	shalt  }
0x6c: {  	_ =	shalt  }
0x6d: {  	_ =	shalt  }
0x6e: {  	_ =	shalt  }
0x6f: {  	_ =	shalt  }
0x70: {  	_ =	shalt  }
0x71: {  	_ =	shalt  }
0x72: {  	_ =	shalt  }
0x73: {  	_ =	shalt  }
0x74: {  	_ =	shalt  }
0x75: {  	_ =	shalt  }
0x76: {  	_ =	shalt  }
0x77: {  	_ =	shalt  }
0x78: {  	_ =	shalt  }
0x79: {  	_ =	shalt  }
0x7a: {  	_ =	shalt  }
0x7b: {  	_ =	shalt  }
0x7c: {  	_ =	shalt  }
0x7d: {  	_ =	shalt  }
0x7e: {  	_ =	shalt  }
0x7f: {  	_ =	shalt  }
0x80: {  	_ =	shalt  }
0x81: {  	_ =	shalt  }
0x82: {  	_ =	shalt  }
0x83: {  	_ =	shalt  }
0x84: {  	_ =	shalt  }
0x85: {  	_ =	shalt  }
0x86: {  	_ =	shalt  }
0x87: {  	_ =	shalt  }
.Lfunc_end0:
.L_simem_size_0:
called_computation_lowered:
.L_overlay_start_0:
0x88: {  	s2 =	sld [smem:$0x3FD9]  }
0x89: {  	s3 =	sld [smem:$0x3FFE];
	_ =	sdelay $0x1  }
0x8a: {  	s1 =	srdreg.scid  }
0x8b: {  	s0 =	sand.u32 $0x1, s1  }
0x8c: {  	s14 =	sshll.u32 s0, $0xA;
	s2 =	sadd.s32 s3, s2  }
0x8d: {  	s2 =	sadd.s32 s2, s14  }
0x8e: {  	[smem:$0x3FBE] =	sst s2  }
0x8f: {  	_ = 	snop  }
0x90: {  	s2 =	sld [smem:$0x3FD0];
	_ =	sdelay $0x2  }
0x91: {  	s15 =	simm.s32 $0xA;
	s4 =	simm.s32 $0x10  }
0x92: {  	[smem:s4], [sflag:s15] =	dma.local [hbm:s2], $0x1  }
0x93: {  	_ =	swait.eq [sflag:s15], $0x1  }
0x94: {  	[sflag:s15] =	ssyncset.done $0x0  }
0x95: {  	[sflag:s15] =	ssyncadd.s32 $0xFFFFFFFF  }
0x96: {  	s16 =	sld [smem:$0x11];
	(tm) =	ssettm $0x1  }
0x97: {  	s17 =	sld [smem:$0x3FFB];
	_ =	sdelay $0x3  }
0x98: {  	_ =	strace s17  }
0x99: {  	s3 =	sld [smem:$0x3FFC];
	_ =	sdelay $0x3  }
0x9a: {  	_ =	strace s3  }
0x9b: {  	s3 =	sld [smem:$0x3FFD];
	_ =	sdelay $0x3  }
0x9c: {  	_ =	strace s3  }
0x9d: {  	_ =	strace $0x8FFFFFFF  }
0x9e: {  	s18 =	sld [smem:$0x3FDB];
	_ =	sdelay $0x1  }
0x9f: {  	s19 =	simm.s32 $_scs_section_size  }
0xa0: {  	s5 =	simm.s32 $_size__tile_overlayer_lowered;
	s6 =	simm.s32 $_tile_overlayer_lowered  }
0xa1: {  	s22 =	simm.s32 $0x1BFF;
	s21 =	sshll.u32 s6, $0x1;
	s3 =	sadd.s32 s19, s18  }
0xa2: {  	s7 =	simm.s32 $0x0;
	s20 =	sshll.u32 s5, $0x1;
	s5 =	sadd.s32 s21, s3  }
0xa3: {  	[timem:s7], [sflag:s22] =	dma.local [hbm:s5], s20  }
0xa4: {  	_ =	swait.ge [sflag:s22], s20  }
0xa5: {  	s4 =	ssub.s32 $0x0, s20;
	[sflag:s22] =	ssyncset.done $0x0  }
0xa6: {  	[sflag:s22] =	ssyncadd.s32 s4;
	_ =	sdelay $0x1  }
0xa7: {  	s23 =	simm.s32 $0x1B8B  }
0xa8: {  	_ =	swait.ge [sflag:s23], $0x1  }
0xa9: {  	[sflag:s23] =	ssyncset.done $0x0  }
0xaa: {  	s25 =	simm.s32 $0x1B8E;
	s24 =	sld [smem:$0x3FFE];
	[sflag:s23] =	ssyncadd.s32 $0xFFFFFFFF  }
0xab: {  	s26 =	simm.s32 $execute0_lowered;
	[smem:$0x3FD2] =	sst s25  }
0xac: {  	s5 =	sshll.u32 s26, $0x1;
	_ =	strace $0x80000046;
	[dreg:$0x1] =	wrdreg $0xFFFFFFFF  }
0xad: {  	s28 =	simm.s32 $_size_execute0_lowered;
	s3 =	sadd.s32 s3, s5;
	[dreg:$0x0] =	wrdreg $0x0  }
0xae: {  	s5 =	sshll.u32 s28, $0x1;
	[dreg:$0x2] =	wrdreg s3  }
0xaf: {  	[dreg:$0x3] =	wrdreg s5  }
0xb0: {  	[dreg:$0x4] =	wrdreg $0xC0  }
0xb1: {  	_ =	task [dreg:s7], $0x5FFFF  }
0xb2: {  	[dreg:$0x1] =	wrdreg $0xFFFFFFFF  }
0xb3: {  	[dreg:$0x0] =	wrdreg $0x60  }
0xb4: {  	[dreg:$0x2] =	wrdreg s16  }
0xb5: {  	[dreg:$0x3] =	wrdreg s24  }
0xb6: {  	[dreg:$0x4] =	wrdreg $0x9  }
0xb7: {  	_ =	task.clear_ibuf [dreg:s7], $0x5FFFF;
	_ =	strace $0x90000046  }
0xb8: {  	s29 =	simm.s32 $0x9;
	_ =	strace $0x80000048  }
0xb9: {  	_ =	swait.ge [sflag:s29], $0x1  }
0xba: {  	[sflag:s29] =	ssyncadd.s32 $0xFFFFFFFF  }
0xbb: {  	_ =	strace $0x90000048  }
0xbc: {  	_ =	sfence  }
0xbd: {  	s30 =	sld [smem:$0x0];
	_ =	sdelay $0x2  }
0xbe: {  	s31 =	sshll.u32 s1, $0xD;
	s1 =	sshrl.u32 s1, $0x2  }
0xbf: {  	s3 =	sand.u32 $0x4000, s31;
	s1 =	sadd.s32 s1, s30  }
0xc0: {  	s0 =	sor.u32 s3, s0;
	s1 =	sshll.u32 s1, $0x11  }
0xc1: {  	s0 =	sor.u32 s1, s0  }
0xc2: {  	s0 =	sadd.s32 $0x8F2B, s0  }
0xc3: {  	[sflag:s0] =	ssyncadd.remote.s32 $0x1  }
0xc4: {  	_ =	sfence.sel $0xFFFF  }
0xc5: {  	[dreg:$0x0] =	wrdreg $0xFFFFFFFF;
	(pc) =	sbr.abs _section_cstart, $3  }
0xc6: {  	[dreg:$0x1] =	wrdreg $0xFFFFFFFF  }
0xc7: {  	_ =	task.clear_ibuf [dreg:s7], $0x2FFFF;
	_ =	strace $0x9FFFFFFF  }
0xc8: {  	(tm) =	ssettm $0x7FFFFFFF  }
0xc9: {  	_ =	shalt  }
tec
execute0_lowered:
.L_overlay_start_1:
0x0: {  	(tag) =	ssettag $0x1  }
0x1: {  	s0 =	srdreg.scid  }
0x2: {  	s3 =	sand.u32 $0x1, s0  }
0x3: {  	s0 =	stileid.u32;
	s1 =	sshll.u32 s3, $0x4  }
0x4: {  	s5 =	rddreg [dreg:$0x0];
	s4 =	sor.u32 s0, s1  }
0x5: {  	s6 =	rddreg [dreg:$0x1];
	s2 =	simm.s32 $0x0;
	s1 =	sshrl.u32 s4, $0x3  }
0x6: {  	s9 =	simm.s32 $0x400;
	s8 =	sshll.u32 s0, $0x7;
	s7 =	smul.u32 $0x13C00, s1  }
0x7: {  	s10 =	simm.s32 $0x0;
	s3 =	ssub.s32 $0x2, s3;
	s8 =	sand.u32 $0x380, s8  }
0x8: {  	[smem:$0x7FF] =	sst s2;
	s31 =	sshrl.u32 s3, $0x1;
	s7 =	sor.u32 s8, s7  }
0x9: {  	s4 =	smul.u32 $0x500, s4;
	s1 =	rddreg [dreg:$0x2];
	s7 =	sshrl.u32 s7, $0x3  }
0xa: {  	_ =	strace $0x80000047;
	s8 =	simm.s32 $0x80;
	s6 =	sadd.s32 s7, s6  }
0xb: {  	s7 =	ssub.s32 s3, s31;
	s3 =	sadd.s32 s5, s4;
	s4 =	sadd.s32 $0x2800, s6  }
0xc: {  	v0 =	vimm.f32 $0.0e+00;
	v1 =	vimm.f32 $1.000000000e+00;
	s5 =	smax.u32 s7, $0x1;
	s6 =	simm.s32 $0x1;
	s7 =	simm.s32 $0x2800  }
.LBB2_1:
0xd: {  	[tilespmem:s2], [sflag:$0x1] =	stream.linear.gather [hbm4b:s3+s2], $0x2780, $0x38;
	[tilespmem:$0x4F80] =	vst v63  }
0xe: {  	_ =	swait.ge [sflag:s6], $0x2780  }
0xf: {  	[sflag:s6] =	ssyncset.done $0x0  }
0x10: {  	s11 =	simm.s32 $0x0;
	[sflag:s6] =	ssyncadd.s32 $0xFFFFD880  }
.LBB2_2:
0x11: {  	p0 =	sne.s32 s11, $0x9DC0  }
.Ltmp0:
0x12: {  	_ = 	snop;
	(pc) =	sbr.rel @p0 .LBB2_2-.Ltmp0, $3  }
0x13: {  	_ =	sdelay $0x1  }
0x14: {  	s12 =	sshra.s32 s11, $0x2  }
0x15: {  	s11 =	sadd.s32 $0x40, s11;
	[tilespmem:s12+$0x2800] =	vst v0  }
0x16: {  	s11 =	simm.s32 $0x0  }
.LBB2_4:
0x17: {  	s12 =	sshra.s32 s11, $0x2  }
0x18: {  	v2 =	vld [tilespmem:s12+$0x0];
	_ =	sdelay $0x7  }
0x19: {  	[tilespmem:v2+s7+$0x0] =	vst.idx.add.f32.msk $0xffff, v1  }
0x1a: {  	v2 =	vld [tilespmem:s12+$0x10];
	_ =	sdelay $0x7  }
0x1b: {  	[tilespmem:v2+s7+$0x0] =	vst.idx.add.f32.msk $0xffff, v1  }
0x1c: {  	v2 =	vld [tilespmem:s12+$0x20];
	_ =	sdelay $0x7  }
0x1d: {  	[tilespmem:v2+s7+$0x0] =	vst.idx.add.f32.msk $0xffff, v1  }
0x1e: {  	v2 =	vld [tilespmem:s12+$0x30];
	_ =	sdelay $0x7  }
0x1f: {  	[tilespmem:v2+s7+$0x0] =	vst.idx.add.f32.msk $0xffff, v1  }
0x20: {  	v2 =	vld [tilespmem:s12+$0x40];
	_ =	sdelay $0x7  }
0x21: {  	[tilespmem:v2+s7+$0x0] =	vst.idx.add.f32.msk $0xffff, v1  }
0x22: {  	v2 =	vld [tilespmem:s12+$0x50];
	_ =	sdelay $0x7  }
0x23: {  	[tilespmem:v2+s7+$0x0] =	vst.idx.add.f32.msk $0xffff, v1  }
0x24: {  	v2 =	vld [tilespmem:s12+$0x60];
	_ =	sdelay $0x7  }
0x25: {  	[tilespmem:v2+s7+$0x0] =	vst.idx.add.f32.msk $0xffff, v1  }
0x26: {  	v2 =	vld [tilespmem:s12+$0x70];
	_ =	sdelay $0x2  }
0x27: {  	p0 =	sne.s32 s11, $0x9C00  }
.Ltmp1:
0x28: {  	_ = 	snop;
	(pc) =	sbr.rel @p0 .LBB2_4-.Ltmp1, $2  }
0x29: {  	_ =	sdelay $0x2  }
0x2a: {  	s11 =	sadd.s32 $0x200, s11;
	[tilespmem:v2+s7+$0x0] =	vst.idx.add.f32.msk $0xffff, v1  }
0x2b: {  	s10 =	sadd.s32 $0x1, s10  }
0x2c: {  	p0 =	sne.s32 s10, s5  }
.Ltmp2:
0x2d: {  	_ = 	snop;
	(pc) =	sbr.rel @p0 .LBB2_1-.Ltmp2, $4  }
0x2e: {  	[hbm4b:s4+s8] =	stream.strided.scatter [tilespmem:s7], [sflag:$0x1], $0x2780, s9, s8, $0x38;
	[tilespmem:$0x4F80] =	vst v63  }
0x2f: {  	_ =	swait.ge [sflag:s6], $0x2780  }
0x30: {  	[sflag:s6] =	ssyncset.done $0x0  }
0x31: {  	[sflag:s6] =	ssyncadd.s32 $0xFFFFD880  }
0x32: {  	_ =	sfence.sel $0x180000  }
0x33: {  	[bflag:$0x0] =	sbarrier.arrive $0xFFFF  }
0x34: {  	p0 =	sne.s32 s0, $0x0;
	_ =	strace $0x90000047  }
0x35: {  	s0 =	sadd.s32 @!p0 $0x100000, s1;
	[bflag:$0x2] =	sbarrier.arrive $0xFFFF  }
0x36: {  	[sflag:s0] =	ssyncadd.tile.s32 @!p0 $0x1;
	_ =	shalt  }
.Lfunc_end2:
_tile_overlayer_lowered:
.L_overlay_start_2:
0x37: {  	(tag) =	ssettag $0x2  }
0x38: {  	s0 =	rddreg [dreg:$0x0];
	s2 =	stileid.u32  }
0x39: {  	s1 =	rddreg [dreg:$0x1];
	p0 =	sne.s32 s2, $0x0  }
0x3a: {  	s3 =	rddreg [dreg:$0x2];
	[bflag:$0x3] =	sbarrier.arrive $0xFFFF;
	s2 =	simm.s32 @!p0 $0x1C01  }
0x3b: {  	[timem:s3], [sflag:s2] =	dma.local @!p0 [hbm:s0], s1  }
0x3c: {  	s0 =	simm.s32 @!p0 $0x1  }
0x3d: {  	_ =	swait.ge @!p0 [sflag:s0], s1  }
0x3e: {  	s1 =	ssub.s32 @!p0 $0x0, s1;
	[sflag:s0] =	ssyncset.done @!p0 $0x0  }
0x3f: {  	[sflag:s0] =	ssyncadd.s32 @!p0 s1  }
0x40: {  	[bflag:$0x3] =	sbarrier.arrive $0xFFFF  }
0x41: {  	_ =	shalt  }

// kernel: kernel.13.cloned.1.call-start
scs
__scs_entry_jumppad:
0x0: {  	(pc) =	sbr.rel $0x88, $3  }
0x1: {  	(tag) =	ssettag $0x0;
	lr =	simm.s32 $0x1  }
0x2: {  	[smem:$0x3F97] =	sst lr;
	_ =	strace $0xD0000000  }
0x3: {  	_ = 	snop  }
0x4: {  	_ = 	snop  }
0x5: {  	_ = 	snop  }
0x6: {  	_ = 	snop  }
0x7: {  	_ = 	snop  }
__scs_overlays_trampoline_lowered:
0x8: {  	[smem:$0x3FA6] =	sst s0  }
0x9: {  	[smem:$0x3FA7] =	sst s1  }
0xa: {  	[smem:$0x3FA8] =	sst s2  }
0xb: {  	[smem:$0x3FA9] =	sst s3  }
0xc: {  	[smem:$0x3FAA] =	sst s4  }
0xd: {  	[smem:$0x3FAB] =	sst s5  }
0xe: {  	[smem:$0x3FAC] =	sst s6  }
0xf: {  	[smem:$0x3FAD] =	sst s7  }
0x10: {  	[smem:$0x3FAE] =	sst s8  }
0x11: {  	[smem:$0x3FAF] =	sst s9;
	s0 =	simm.s32 @!p0 $0x0  }
0x12: {  	s1 =	sld [smem:$0x3F95];
	s0 =	simm.s32 @p0 $0x1  }
0x13: {  	[smem:$0x3FB0] =	sst s0;
	s0 =	simm.s32 @!p1 $0x0  }
0x14: {  	s2 =	sld [smem:$0x3F94];
	s0 =	simm.s32 @p1 $0x1  }
0x15: {  	[smem:$0x3FB1] =	sst s0;
	s0 =	simm.s32 @!p2 $0x0  }
0x16: {  	s3 =	sld [smem:$0x3FDB];
	s0 =	simm.s32 @p2 $0x1  }
0x17: {  	s4 =	simm.s32 $0x1BF5;
	[smem:$0x3FB3] =	sst s0  }
0x18: {  	s0 =	sld [smem:$0x3F96];
	_ =	swait.ge [sflag:s4], $0x0  }
0x19: {  	s7 =	sld [smem:$0x3F97]  }
0x1a: {  	s8 =	sadd.s32 $0xFFFFE003, lr  }
0x1b: {  	s9 =	sadd.s32 $0xFFFFFEF7, lr;
	s5 =	simm.s32 $0xFFFFFFFF;
	p2 =	slt.u32 s8, $0xFFFFF086  }
0x1c: {  	p1 =	slt.u32 s9, $0xF7A;
	s5 =	simm.s32 @!p2 $0x0  }
0x1d: {  	s5 =	simm.s32 @p1 $0x1;
	p0 =	seq.s32 s7, s2  }
0x1e: {  	s7 =	smul.u32 @!p0 $0xF7A, s2;
	p2 =	seq.s32 @!p0 s5, $0x0  }
0x1f: {  	s9 =	smul.u32 $0xF7A, s1;
	s8 =	simm.s32 @!p0 $0x1BF5;
	p2 =	por !p2, p0  }
0x20: {  	[sflag:s8] =	ssyncset.s32 @!p0 $0xFFFFF086;
	s6 =	sadd.s32 @!p0 s3, s7;
	s7 =	simm.s32 @!p0 $0x108  }
0x21: {  	s3 =	sadd.s32 s3, s9;
	s6 =	sadd.s32 @!p0 $0x88, s6;
	s7 =	simm.s32 @p2 $0x1082  }
0x22: {  	[simem:s7], [sflag:s8] =	dma.local @!p0 [hbm:s6], $0xF7A  }
0x23: {  	s9 =	sor.u32 $0xD0000000, s2;
	s6 =	simm.s32 $0x108;
	_ =	swait.ge @!p0 [sflag:s8], $0x0  }
0x24: {  	s3 =	sadd.s32 $0x88, s3;
	s6 =	simm.s32 @!p1 $0x1082;
	[sflag:s4] =	ssyncset.s32 $0xFFFFF086  }
0x25: {  	[simem:s6], [sflag:s4] =	dma.local [hbm:s3], $0xF7A  }
0x26: {  	[smem:$0x3F97] =	sst s1;
	(tag) =	ssettag s2;
	_ =	strace s9  }
0x27: {  	s1 =	sld [smem:$0x3FA7]  }
0x28: {  	s2 =	sld [smem:$0x3FA8]  }
0x29: {  	s4 =	sld [smem:$0x3FAA]  }
0x2a: {  	p0 =	seq.s32 s5, $0x0;
	s5 =	sld [smem:$0x3FAB]  }
0x2b: {  	s6 =	sld [smem:$0x3FAC]  }
0x2c: {  	s7 =	sld [smem:$0x3FAD]  }
0x2d: {  	s3 =	simm.s32 $0x108;
	s8 =	sld [smem:$0x3FAE]  }
0x2e: {  	s3 =	simm.s32 @!p0 $0x1082;
	s9 =	sld [smem:$0x3FAF]  }
0x2f: {  	lr =	sadd.s32 s0, s3;
	s0 =	sld [smem:$0x3FA6]  }
0x30: {  	s3 =	sld [smem:$0x3FA9]  }
0x31: {  	[smem:$0x3FB2] =	sst s10  }
0x32: {  	s10 =	sld [smem:$0x3FB0];
	_ =	sdelay $0x3  }
0x33: {  	p0 =	seq.s32 s10, $0x1;
	s10 =	sld [smem:$0x3FB2];
	_ =	sdelay $0x3  }
0x34: {  	[smem:$0x3FB2] =	sst s10  }
0x35: {  	s10 =	sld [smem:$0x3FB1];
	_ =	sdelay $0x3  }
0x36: {  	p1 =	seq.s32 s10, $0x1;
	s10 =	sld [smem:$0x3FB2];
	_ =	sdelay $0x3  }
0x37: {  	[smem:$0x3FB2] =	sst s10  }
0x38: {  	s10 =	sld [smem:$0x3FB3]  }
0x39: {  	_ = 	snop;
	(pc) =	sbr.ind lr, $3  }
0x3a: {  	_ = 	snop  }
0x3b: {  	_ = 	snop  }
0x3c: {  	p2 =	seq.s32 s10, $0x1;
	s10 =	sld [smem:$0x3FB2]  }
0x3d: {  	_ =	shalt  }
0x3e: {  	_ =	shalt  }
0x3f: {  	_ =	shalt  }
0x40: {  	_ =	shalt  }
0x41: {  	_ =	shalt  }
0x42: {  	_ =	shalt  }
0x43: {  	_ =	shalt  }
0x44: {  	_ =	shalt  }
0x45: {  	_ =	shalt  }
0x46: {  	_ =	shalt  }
0x47: {  	_ =	shalt  }
0x48: {  	_ =	shalt  }
0x49: {  	_ =	shalt  }
0x4a: {  	_ =	shalt  }
0x4b: {  	_ =	shalt  }
0x4c: {  	_ =	shalt  }
0x4d: {  	_ =	shalt  }
0x4e: {  	_ =	shalt  }
0x4f: {  	_ =	shalt  }
0x50: {  	_ =	shalt  }
0x51: {  	_ =	shalt  }
0x52: {  	_ =	shalt  }
0x53: {  	_ =	shalt  }
0x54: {  	_ =	shalt  }
0x55: {  	_ =	shalt  }
0x56: {  	_ =	shalt  }
0x57: {  	_ =	shalt  }
0x58: {  	_ =	shalt  }
0x59: {  	_ =	shalt  }
0x5a: {  	_ =	shalt  }
0x5b: {  	_ =	shalt  }
0x5c: {  	_ =	shalt  }
0x5d: {  	_ =	shalt  }
0x5e: {  	_ =	shalt  }
0x5f: {  	_ =	shalt  }
0x60: {  	_ =	shalt  }
0x61: {  	_ =	shalt  }
0x62: {  	_ =	shalt  }
0x63: {  	_ =	shalt  }
0x64: {  	_ =	shalt  }
0x65: {  	_ =	shalt  }
0x66: {  	_ =	shalt  }
0x67: {  	_ =	shalt  }
0x68: {  	_ =	shalt  }
0x69: {  	_ =	shalt  }
0x6a: {  	_ =	shalt  }
0x6b: {  	_ =	shalt  }
0x6c: {  	_ =	shalt  }
0x6d: {  	_ =	shalt  }
0x6e: {  	_ =	shalt  }
0x6f: {  	_ =	shalt  }
0x70: {  	_ =	shalt  }
0x71: {  	_ =	shalt  }
0x72: {  	_ =	shalt  }
0x73: {  	_ =	shalt  }
0x74: {  	_ =	shalt  }
0x75: {  	_ =	shalt  }
0x76: {  	_ =	shalt  }
0x77: {  	_ =	shalt  }
0x78: {  	_ =	shalt  }
0x79: {  	_ =	shalt  }
0x7a: {  	_ =	shalt  }
0x7b: {  	_ =	shalt  }
0x7c: {  	_ =	shalt  }
0x7d: {  	_ =	shalt  }
0x7e: {  	_ =	shalt  }
0x7f: {  	_ =	shalt  }
0x80: {  	_ =	shalt  }
0x81: {  	_ =	shalt  }
0x82: {  	_ =	shalt  }
0x83: {  	_ =	shalt  }
0x84: {  	_ =	shalt  }
0x85: {  	_ =	shalt  }
0x86: {  	_ =	shalt  }
0x87: {  	_ =	shalt  }
.Lfunc_end0:
.L_simem_size_0:
called_computation.1_lowered:
.L_overlay_start_0:
0x88: {  	s2 =	sld [smem:$0x3FD9]  }
0x89: {  	s3 =	sld [smem:$0x3FFE];
	_ =	sdelay $0x1  }
0x8a: {  	s1 =	srdreg.scid  }
0x8b: {  	s0 =	sand.u32 $0x1, s1  }
0x8c: {  	s14 =	sshll.u32 s0, $0xA;
	s2 =	sadd.s32 s3, s2  }
0x8d: {  	s2 =	sadd.s32 s2, s14  }
0x8e: {  	[smem:$0x3FBE] =	sst s2  }
0x8f: {  	_ = 	snop  }
0x90: {  	s2 =	sld [smem:$0x3FD0];
	_ =	sdelay $0x2  }
0x91: {  	s15 =	simm.s32 $0xA;
	s4 =	simm.s32 $0x10  }
0x92: {  	[smem:s4], [sflag:s15] =	dma.local [hbm:s2], $0x1  }
0x93: {  	_ =	swait.eq [sflag:s15], $0x1  }
0x94: {  	[sflag:s15] =	ssyncset.done $0x0  }
0x95: {  	s16 =	sld [smem:$0x10];
	[sflag:s15] =	ssyncadd.s32 $0xFFFFFFFF  }
0x96: {  	s17 =	sld [smem:$0x11];
	(tm) =	ssettm $0x1  }
0x97: {  	s18 =	sld [smem:$0x3FFB];
	_ =	sdelay $0x3  }
0x98: {  	_ =	strace s18  }
0x99: {  	s4 =	sld [smem:$0x3FFC];
	_ =	sdelay $0x3  }
0x9a: {  	_ =	strace s4  }
0x9b: {  	s4 =	sld [smem:$0x3FFD];
	_ =	sdelay $0x3  }
0x9c: {  	_ =	strace s4  }
0x9d: {  	_ =	strace $0x8FFFFFFF  }
0x9e: {  	s19 =	sld [smem:$0x3FDB];
	_ =	sdelay $0x1  }
0x9f: {  	s5 =	simm.s32 $_scs_section_size  }
0xa0: {  	s6 =	simm.s32 $_size__tile_overlayer_lowered;
	s7 =	simm.s32 $_tile_overlayer_lowered  }
0xa1: {  	s22 =	simm.s32 $0x1BFF;
	s21 =	sshll.u32 s7, $0x1;
	s4 =	sadd.s32 s5, s19  }
0xa2: {  	s8 =	simm.s32 $0x0;
	s20 =	sshll.u32 s6, $0x1;
	s6 =	sadd.s32 s21, s4  }
0xa3: {  	[timem:s8], [sflag:s22] =	dma.local [hbm:s6], s20  }
0xa4: {  	_ =	swait.ge [sflag:s22], s20  }
0xa5: {  	s5 =	ssub.s32 $0x0, s20;
	[sflag:s22] =	ssyncset.done $0x0  }
0xa6: {  	[sflag:s22] =	ssyncadd.s32 s5;
	_ =	sdelay $0x1  }
0xa7: {  	s23 =	simm.s32 $0x1B8B  }
0xa8: {  	_ =	swait.ge [sflag:s23], $0x1  }
0xa9: {  	[sflag:s23] =	ssyncset.done $0x0  }
0xaa: {  	s25 =	simm.s32 $0x1B8E;
	s24 =	sld [smem:$0x3FFE];
	[sflag:s23] =	ssyncadd.s32 $0xFFFFFFFF  }
0xab: {  	s26 =	simm.s32 $execute0_lowered;
	[smem:$0x3FD2] =	sst s25  }
0xac: {  	s6 =	sshll.u32 s26, $0x1;
	_ =	strace $0x80000049;
	[dreg:$0x1] =	wrdreg $0xFFFFFFFF  }
0xad: {  	s28 =	simm.s32 $_size_execute0_lowered;
	s4 =	sadd.s32 s4, s6;
	[dreg:$0x0] =	wrdreg $0x0  }
0xae: {  	s6 =	sshll.u32 s28, $0x1;
	[dreg:$0x2] =	wrdreg s4  }
0xaf: {  	[dreg:$0x3] =	wrdreg s6  }
0xb0: {  	[dreg:$0x4] =	wrdreg $0xC0  }
0xb1: {  	_ =	task [dreg:s8], $0x5FFFF  }
0xb2: {  	[dreg:$0x1] =	wrdreg $0xFFFFFFFF  }
0xb3: {  	[dreg:$0x0] =	wrdreg $0x60  }
0xb4: {  	[dreg:$0x2] =	wrdreg s24  }
0xb5: {  	[dreg:$0x3] =	wrdreg s16  }
0xb6: {  	[dreg:$0x4] =	wrdreg s17  }
0xb7: {  	[dreg:$0x5] =	wrdreg $0x90000  }
0xb8: {  	[dreg:$0x6] =	wrdreg $0x9  }
0xb9: {  	_ =	task.clear_ibuf [dreg:s8], $0x7FFFF;
	_ =	strace $0x90000049  }
0xba: {  	s29 =	simm.s32 $0x9;
	_ =	strace $0x8000004B  }
0xbb: {  	_ =	swait.ge [sflag:s29], $0x1  }
0xbc: {  	[sflag:s29] =	ssyncadd.s32 $0xFFFFFFFF  }
0xbd: {  	_ =	strace $0x9000004B  }
0xbe: {  	_ =	sfence  }
0xbf: {  	s30 =	sld [smem:$0x0];
	_ =	sdelay $0x2  }
0xc0: {  	s31 =	sshll.u32 s1, $0xD;
	s1 =	sshrl.u32 s1, $0x2  }
0xc1: {  	s3 =	sand.u32 $0x4000, s31;
	s1 =	sadd.s32 s1, s30  }
0xc2: {  	s0 =	sor.u32 s3, s0;
	s1 =	sshll.u32 s1, $0x11  }
0xc3: {  	s0 =	sor.u32 s1, s0  }
0xc4: {  	s0 =	sadd.s32 $0x8F2B, s0  }
0xc5: {  	[sflag:s0] =	ssyncadd.remote.s32 $0x1  }
0xc6: {  	_ =	sfence.sel $0xFFFF  }
0xc7: {  	[dreg:$0x0] =	wrdreg $0xFFFFFFFF;
	(pc) =	sbr.abs _section_cstart, $3  }
0xc8: {  	[dreg:$0x1] =	wrdreg $0xFFFFFFFF  }
0xc9: {  	_ =	task.clear_ibuf [dreg:s8], $0x2FFFF;
	_ =	strace $0x9FFFFFFF  }
0xca: {  	(tm) =	ssettm $0x7FFFFFFF  }
0xcb: {  	_ =	shalt  }
tec
execute0_lowered:
.L_overlay_start_1:
0x0: {  	(tag) =	ssettag $0x1  }
0x1: {  	s5 =	rddreg [dreg:$0x0]  }
0x2: {  	s6 =	rddreg [dreg:$0x1]  }
0x3: {  	s7 =	rddreg [dreg:$0x2]  }
0x4: {  	s2 =	rddreg [dreg:$0x3]  }
0x5: {  	s0 =	rddreg [dreg:$0x4];
	s1 =	stileid.u32  }
0x6: {  	s4 =	srdreg.scid;
	s3 =	simm.s32 $0x0;
	s14 =	simm.s32 $0x80  }
0x7: {  	s15 =	simm.s32 $0x5000;
	s16 =	simm.s32 $0x1;
	s17 =	simm.s32 $0x0  }
0x8: {  	s8 =	smul.u32 $0x13C00, s1;
	s9 =	sand.u32 $0x1, s4;
	[smem:$0x7FF] =	sst s3  }
0x9: {  	s4 =	sadd.s32 $0x2800, s5;
	s12 =	smul.u32 $0x4F000, s1;
	s31 =	sshll.u32 s1, $0x6  }
0xa: {  	s10 =	smul.u32 $0x13C000, s9;
	s29 =	sshll.u32 s9, $0x4;
	s9 =	ssub.s32 $0x2, s9  }
0xb: {  	_ =	strace $0x8000004A;
	s11 =	sshrl.u32 s8, $0x3;
	s13 =	sshrl.u32 s9, $0x1  }
0xc: {  	s12 =	sshrl.u32 s12, $0x2;
	s11 =	sadd.s32 s11, s5;
	s8 =	sadd.s32 s8, s10  }
0xd: {  	s10 =	sor.u32 s1, s29;
	s9 =	ssub.s32 s9, s13;
	s30 =	sadd.s32 s12, s2  }
0xe: {  	s12 =	sor.u32 $0x1C02, s31;
	s8 =	sshrl.u32 s8, $0x3;
	s10 =	smul.u32 $0x500, s10  }
0xf: {  	s9 =	smax.u32 s9, $0x1;
	s13 =	sshrl.u32 s30, $0x3;
	s8 =	sadd.s32 s8, s5  }
0x10: {  	s5 =	sadd.s32 s6, s10;
	s6 =	sadd.s32 s7, s10;
	s7 =	sadd.s32 $0x29A00, s11  }
0x11: {  	s8 =	sadd.s32 $0x51200, s8;
	s10 =	simm.s32 $0x2;
	s11 =	simm.s32 $0x2800  }
.LBB2_1:
0x12: {  	[tilespmem:s3], [sflag:$0x2] =	stream.linear.gather [hbm4b:s5+s3], $0x2780, $0x38;
	[tilespmem:$0x1CC00] =	vst v63  }
0x13: {  	_ =	swait.ge [sflag:s10], $0x2780  }
0x14: {  	[sflag:s10] =	ssyncset.done $0x0  }
0x15: {  	[sflag:s10] =	ssyncadd.s32 $0xFFFFD880  }
0x16: {  	[tilespmem:s11], [sflag:$0x2] =	stream.linear.gather [hbm4b:s6+s3], $0x2780, $0x38;
	[tilespmem:$0x1CC00] =	vst v63  }
0x17: {  	_ =	swait.ge [sflag:s10], $0x2780  }
0x18: {  	[sflag:s10] =	ssyncset.done $0x0  }
0x19: {  	[sflag:s10] =	ssyncadd.s32 $0xFFFFD880  }
0x1a: {  	[spmem:s13], [sflag:s12] =	dma.local [hbm:s7], $0x2780  }
0x1b: {  	_ =	swait.ge [sflag:s10], $0x2780  }
0x1c: {  	[sflag:s10] =	ssyncset.done $0x0  }
0x1d: {  	[sflag:s10] =	ssyncadd.s32 $0xFFFFD880  }
0x1e: {  	s18 =	simm.s32 $0x0;
	[bflag:$0x0] =	sbarrier.arrive $0xFFFF  }
0x1f: {  	[tilespmem:s15], [sflag:$0x1] =	stream.indirect.gather [hbm4b:s4+s14], $0x80, s18, s14, $0xb8;
	[tilespmem:$0x1CC00] =	vst v63  }
0x20: {  	_ =	swait.ge [sflag:s16], $0x4000  }
0x21: {  	[sflag:s16] =	ssyncset.done $0x0  }
0x22: {  	s31 =	simm.s32 $0x2800;
	[sflag:s16] =	ssyncadd.s32 $0xFFFFC000  }
0x23: {  	[spmem:s2] =	stream.indirect.scatter.add.f32 [tilespmem:s15], [sflag:$0x2], $0x80, s31, s14, $0xb8;
	[tilespmem:$0x1CC00] =	vst v63  }
0x24: {  	_ =	swait.ge [sflag:s10], $0x4000  }
0x25: {  	s19 =	simm.s32 $0x400;
	s18 =	simm.s32 $0x200;
	[sflag:s10] =	ssyncset.done $0x0  }
.LBB2_2:
0x26: {  	s20 =	sshra.s32 s18, $0x2  }
0x27: {  	[sflag:s10] =	ssyncadd.s32 $0xFFFFC000;
	s18 =	smov.u32 s19;
	s21 =	sadd.s32 $0x200, s19  }
0x28: {  	[tilespmem:s15], [sflag:$0x1] =	stream.indirect.gather [hbm4b:s4+s14], $0x80, s20, s14, $0xb8;
	[tilespmem:$0x1CC00] =	vst v63  }
0x29: {  	p0 =	sne.s32 s19, $0x9C00;
	_ =	swait.ge [sflag:s16], $0x4000  }
.Ltmp0:
0x2a: {  	[sflag:s16] =	ssyncset.done $0x0;
	(pc) =	sbr.rel @p0 .LBB2_2-.Ltmp0, $4  }
0x2b: {  	s19 =	sadd.s32 $0x2800, s20;
	[sflag:s16] =	ssyncadd.s32 $0xFFFFC000  }
0x2c: {  	[spmem:s2] =	stream.indirect.scatter.add.f32 [tilespmem:s15], [sflag:$0x2], $0x80, s19, s14, $0xb8;
	[tilespmem:$0x1CC00] =	vst v63  }
0x2d: {  	_ =	swait.ge [sflag:s10], $0x4000  }
0x2e: {  	s19 =	smov.u32 s21;
	[sflag:s10] =	ssyncset.done $0x0  }
0x2f: {  	s18 =	sshra.s32 s18, $0x2;
	[sflag:s10] =	ssyncadd.s32 $0xFFFFC000  }
0x30: {  	[tilespmem:s15], [sflag:$0x1] =	stream.indirect.gather [hbm4b:s4+s14], $0x80, s18, s14, $0xb8;
	[tilespmem:$0x1CC00] =	vst v63  }
0x31: {  	_ =	swait.ge [sflag:s16], $0x4000  }
0x32: {  	[sflag:s16] =	ssyncset.done $0x0  }
0x33: {  	s18 =	sadd.s32 $0x2800, s18;
	[sflag:s16] =	ssyncadd.s32 $0xFFFFC000  }
0x34: {  	[spmem:s2] =	stream.indirect.scatter.add.f32 [tilespmem:s15], [sflag:$0x2], $0x80, s18, s14, $0xb8;
	[tilespmem:$0x1CC00] =	vst v63  }
0x35: {  	_ =	swait.ge [sflag:s10], $0x4000  }
0x36: {  	s17 =	sadd.s32 $0x1, s17;
	[sflag:s10] =	ssyncset.done $0x0  }
0x37: {  	p0 =	sne.s32 s17, s9;
	[sflag:s10] =	ssyncadd.s32 $0xFFFFC000  }
.Ltmp1:
0x38: {  	[bflag:$0x0] =	sbarrier.arrive $0xFFFF;
	(pc) =	sbr.rel @p0 .LBB2_1-.Ltmp1, $4  }
0x39: {  	[hbm:s8], [sflag:s12] =	dma.local [spmem:s13], $0x2780  }
0x3a: {  	_ =	swait.ge [sflag:s10], $0x2780  }
0x3b: {  	[sflag:s10] =	ssyncset.done $0x0  }
0x3c: {  	[sflag:s10] =	ssyncadd.s32 $0xFFFFD880  }
0x3d: {  	_ =	sfence.sel $0x180000  }
0x3e: {  	[bflag:$0x0] =	sbarrier.arrive $0xFFFF  }
0x3f: {  	p0 =	sne.s32 s1, $0x0;
	_ =	strace $0x9000004A  }
0x40: {  	s0 =	sadd.s32 @!p0 $0x100000, s0;
	[bflag:$0x2] =	sbarrier.arrive $0xFFFF  }
0x41: {  	[sflag:s0] =	ssyncadd.tile.s32 @!p0 $0x1;
	_ =	shalt  }
.Lfunc_end2:
_tile_overlayer_lowered:
.L_overlay_start_2:
0x42: {  	(tag) =	ssettag $0x2  }
0x43: {  	s0 =	rddreg [dreg:$0x0];
	s2 =	stileid.u32  }
0x44: {  	s1 =	rddreg [dreg:$0x1];
	p0 =	sne.s32 s2, $0x0  }
0x45: {  	s3 =	rddreg [dreg:$0x2];
	[bflag:$0x3] =	sbarrier.arrive $0xFFFF;
	s2 =	simm.s32 @!p0 $0x1C02  }
0x46: {  	[timem:s3], [sflag:s2] =	dma.local @!p0 [hbm:s0], s1  }
0x47: {  	s0 =	simm.s32 @!p0 $0x2  }
0x48: {  	_ =	swait.ge @!p0 [sflag:s0], s1  }
0x49: {  	s1 =	ssub.s32 @!p0 $0x0, s1;
	[sflag:s0] =	ssyncset.done @!p0 $0x0  }
0x4a: {  	[sflag:s0] =	ssyncadd.s32 @!p0 s1  }
0x4b: {  	[bflag:$0x3] =	sbarrier.arrive $0xFFFF  }
0x4c: {  	_ =	shalt  }

// kernel: kernel.16.cloned.1.call-start
scs
__scs_entry_jumppad:
0x0: {  	(pc) =	sbr.rel $0x88, $3  }
0x1: {  	(tag) =	ssettag $0x0;
	lr =	simm.s32 $0x1  }
0x2: {  	[smem:$0x3F97] =	sst lr;
	_ =	strace $0xD0000000  }
0x3: {  	_ = 	snop  }
0x4: {  	_ = 	snop  }
0x5: {  	_ = 	snop  }
0x6: {  	_ = 	snop  }
0x7: {  	_ = 	snop  }
__scs_overlays_trampoline_lowered:
0x8: {  	[smem:$0x3FA6] =	sst s0  }
0x9: {  	[smem:$0x3FA7] =	sst s1  }
0xa: {  	[smem:$0x3FA8] =	sst s2  }
0xb: {  	[smem:$0x3FA9] =	sst s3  }
0xc: {  	[smem:$0x3FAA] =	sst s4  }
0xd: {  	[smem:$0x3FAB] =	sst s5  }
0xe: {  	[smem:$0x3FAC] =	sst s6  }
0xf: {  	[smem:$0x3FAD] =	sst s7  }
0x10: {  	[smem:$0x3FAE] =	sst s8  }
0x11: {  	[smem:$0x3FAF] =	sst s9;
	s0 =	simm.s32 @!p0 $0x0  }
0x12: {  	s1 =	sld [smem:$0x3F95];
	s0 =	simm.s32 @p0 $0x1  }
0x13: {  	[smem:$0x3FB0] =	sst s0;
	s0 =	simm.s32 @!p1 $0x0  }
0x14: {  	s2 =	sld [smem:$0x3F94];
	s0 =	simm.s32 @p1 $0x1  }
0x15: {  	[smem:$0x3FB1] =	sst s0;
	s0 =	simm.s32 @!p2 $0x0  }
0x16: {  	s3 =	sld [smem:$0x3FDB];
	s0 =	simm.s32 @p2 $0x1  }
0x17: {  	s4 =	simm.s32 $0x1BF5;
	[smem:$0x3FB3] =	sst s0  }
0x18: {  	s0 =	sld [smem:$0x3F96];
	_ =	swait.ge [sflag:s4], $0x0  }
0x19: {  	s7 =	sld [smem:$0x3F97]  }
0x1a: {  	s8 =	sadd.s32 $0xFFFFE003, lr  }
0x1b: {  	s9 =	sadd.s32 $0xFFFFFEF7, lr;
	s5 =	simm.s32 $0xFFFFFFFF;
	p2 =	slt.u32 s8, $0xFFFFF086  }
0x1c: {  	p1 =	slt.u32 s9, $0xF7A;
	s5 =	simm.s32 @!p2 $0x0  }
0x1d: {  	s5 =	simm.s32 @p1 $0x1;
	p0 =	seq.s32 s7, s2  }
0x1e: {  	s7 =	smul.u32 @!p0 $0xF7A, s2;
	p2 =	seq.s32 @!p0 s5, $0x0  }
0x1f: {  	s9 =	smul.u32 $0xF7A, s1;
	s8 =	simm.s32 @!p0 $0x1BF5;
	p2 =	por !p2, p0  }
0x20: {  	[sflag:s8] =	ssyncset.s32 @!p0 $0xFFFFF086;
	s6 =	sadd.s32 @!p0 s3, s7;
	s7 =	simm.s32 @!p0 $0x108  }
0x21: {  	s3 =	sadd.s32 s3, s9;
	s6 =	sadd.s32 @!p0 $0x88, s6;
	s7 =	simm.s32 @p2 $0x1082  }
0x22: {  	[simem:s7], [sflag:s8] =	dma.local @!p0 [hbm:s6], $0xF7A  }
0x23: {  	s9 =	sor.u32 $0xD0000000, s2;
	s6 =	simm.s32 $0x108;
	_ =	swait.ge @!p0 [sflag:s8], $0x0  }
0x24: {  	s3 =	sadd.s32 $0x88, s3;
	s6 =	simm.s32 @!p1 $0x1082;
	[sflag:s4] =	ssyncset.s32 $0xFFFFF086  }
0x25: {  	[simem:s6], [sflag:s4] =	dma.local [hbm:s3], $0xF7A  }
0x26: {  	[smem:$0x3F97] =	sst s1;
	(tag) =	ssettag s2;
	_ =	strace s9  }
0x27: {  	s1 =	sld [smem:$0x3FA7]  }
0x28: {  	s2 =	sld [smem:$0x3FA8]  }
0x29: {  	s4 =	sld [smem:$0x3FAA]  }
0x2a: {  	p0 =	seq.s32 s5, $0x0;
	s5 =	sld [smem:$0x3FAB]  }
0x2b: {  	s6 =	sld [smem:$0x3FAC]  }
0x2c: {  	s7 =	sld [smem:$0x3FAD]  }
0x2d: {  	s3 =	simm.s32 $0x108;
	s8 =	sld [smem:$0x3FAE]  }
0x2e: {  	s3 =	simm.s32 @!p0 $0x1082;
	s9 =	sld [smem:$0x3FAF]  }
0x2f: {  	lr =	sadd.s32 s0, s3;
	s0 =	sld [smem:$0x3FA6]  }
0x30: {  	s3 =	sld [smem:$0x3FA9]  }
0x31: {  	[smem:$0x3FB2] =	sst s10  }
0x32: {  	s10 =	sld [smem:$0x3FB0];
	_ =	sdelay $0x3  }
0x33: {  	p0 =	seq.s32 s10, $0x1;
	s10 =	sld [smem:$0x3FB2];
	_ =	sdelay $0x3  }
0x34: {  	[smem:$0x3FB2] =	sst s10  }
0x35: {  	s10 =	sld [smem:$0x3FB1];
	_ =	sdelay $0x3  }
0x36: {  	p1 =	seq.s32 s10, $0x1;
	s10 =	sld [smem:$0x3FB2];
	_ =	sdelay $0x3  }
0x37: {  	[smem:$0x3FB2] =	sst s10  }
0x38: {  	s10 =	sld [smem:$0x3FB3]  }
0x39: {  	_ = 	snop;
	(pc) =	sbr.ind lr, $3  }
0x3a: {  	_ = 	snop  }
0x3b: {  	_ = 	snop  }
0x3c: {  	p2 =	seq.s32 s10, $0x1;
	s10 =	sld [smem:$0x3FB2]  }
0x3d: {  	_ =	shalt  }
0x3e: {  	_ =	shalt  }
0x3f: {  	_ =	shalt  }
0x40: {  	_ =	shalt  }
0x41: {  	_ =	shalt  }
0x42: {  	_ =	shalt  }
0x43: {  	_ =	shalt  }
0x44: {  	_ =	shalt  }
0x45: {  	_ =	shalt  }
0x46: {  	_ =	shalt  }
0x47: {  	_ =	shalt  }
0x48: {  	_ =	shalt  }
0x49: {  	_ =	shalt  }
0x4a: {  	_ =	shalt  }
0x4b: {  	_ =	shalt  }
0x4c: {  	_ =	shalt  }
0x4d: {  	_ =	shalt  }
0x4e: {  	_ =	shalt  }
0x4f: {  	_ =	shalt  }
0x50: {  	_ =	shalt  }
0x51: {  	_ =	shalt  }
0x52: {  	_ =	shalt  }
0x53: {  	_ =	shalt  }
0x54: {  	_ =	shalt  }
0x55: {  	_ =	shalt  }
0x56: {  	_ =	shalt  }
0x57: {  	_ =	shalt  }
0x58: {  	_ =	shalt  }
0x59: {  	_ =	shalt  }
0x5a: {  	_ =	shalt  }
0x5b: {  	_ =	shalt  }
0x5c: {  	_ =	shalt  }
0x5d: {  	_ =	shalt  }
0x5e: {  	_ =	shalt  }
0x5f: {  	_ =	shalt  }
0x60: {  	_ =	shalt  }
0x61: {  	_ =	shalt  }
0x62: {  	_ =	shalt  }
0x63: {  	_ =	shalt  }
0x64: {  	_ =	shalt  }
0x65: {  	_ =	shalt  }
0x66: {  	_ =	shalt  }
0x67: {  	_ =	shalt  }
0x68: {  	_ =	shalt  }
0x69: {  	_ =	shalt  }
0x6a: {  	_ =	shalt  }
0x6b: {  	_ =	shalt  }
0x6c: {  	_ =	shalt  }
0x6d: {  	_ =	shalt  }
0x6e: {  	_ =	shalt  }
0x6f: {  	_ =	shalt  }
0x70: {  	_ =	shalt  }
0x71: {  	_ =	shalt  }
0x72: {  	_ =	shalt  }
0x73: {  	_ =	shalt  }
0x74: {  	_ =	shalt  }
0x75: {  	_ =	shalt  }
0x76: {  	_ =	shalt  }
0x77: {  	_ =	shalt  }
0x78: {  	_ =	shalt  }
0x79: {  	_ =	shalt  }
0x7a: {  	_ =	shalt  }
0x7b: {  	_ =	shalt  }
0x7c: {  	_ =	shalt  }
0x7d: {  	_ =	shalt  }
0x7e: {  	_ =	shalt  }
0x7f: {  	_ =	shalt  }
0x80: {  	_ =	shalt  }
0x81: {  	_ =	shalt  }
0x82: {  	_ =	shalt  }
0x83: {  	_ =	shalt  }
0x84: {  	_ =	shalt  }
0x85: {  	_ =	shalt  }
0x86: {  	_ =	shalt  }
0x87: {  	_ =	shalt  }
.Lfunc_end0:
.L_simem_size_0:
called_computation.2_lowered:
.L_overlay_start_0:
0x88: {  	s2 =	sld [smem:$0x3FD9]  }
0x89: {  	s3 =	sld [smem:$0x3FFE];
	_ =	sdelay $0x1  }
0x8a: {  	s1 =	srdreg.scid  }
0x8b: {  	s0 =	sand.u32 $0x1, s1  }
0x8c: {  	s14 =	sshll.u32 s0, $0xA;
	s2 =	sadd.s32 s3, s2  }
0x8d: {  	s2 =	sadd.s32 s2, s14  }
0x8e: {  	[smem:$0x3FBE] =	sst s2  }
0x8f: {  	_ = 	snop  }
0x90: {  	s2 =	sld [smem:$0x3FD0];
	_ =	sdelay $0x2  }
0x91: {  	s15 =	simm.s32 $0xA;
	s4 =	simm.s32 $0x10  }
0x92: {  	[smem:s4], [sflag:s15] =	dma.local [hbm:s2], $0x1  }
0x93: {  	_ =	swait.eq [sflag:s15], $0x1  }
0x94: {  	[sflag:s15] =	ssyncset.done $0x0  }
0x95: {  	s16 =	sld [smem:$0x10];
	[sflag:s15] =	ssyncadd.s32 $0xFFFFFFFF  }
0x96: {  	s17 =	sld [smem:$0x11];
	(tm) =	ssettm $0x1  }
0x97: {  	s18 =	sld [smem:$0x3FFB];
	_ =	sdelay $0x3  }
0x98: {  	_ =	strace s18  }
0x99: {  	s4 =	sld [smem:$0x3FFC];
	_ =	sdelay $0x3  }
0x9a: {  	_ =	strace s4  }
0x9b: {  	s4 =	sld [smem:$0x3FFD];
	_ =	sdelay $0x3  }
0x9c: {  	_ =	strace s4  }
0x9d: {  	_ =	strace $0x8FFFFFFF  }
0x9e: {  	s19 =	sld [smem:$0x3FDB];
	_ =	sdelay $0x1  }
0x9f: {  	s5 =	simm.s32 $_scs_section_size  }
0xa0: {  	s6 =	simm.s32 $_size__tile_overlayer_lowered;
	s7 =	simm.s32 $_tile_overlayer_lowered  }
0xa1: {  	s22 =	simm.s32 $0x1BFF;
	s21 =	sshll.u32 s7, $0x1;
	s4 =	sadd.s32 s5, s19  }
0xa2: {  	s8 =	simm.s32 $0x0;
	s20 =	sshll.u32 s6, $0x1;
	s6 =	sadd.s32 s21, s4  }
0xa3: {  	[timem:s8], [sflag:s22] =	dma.local [hbm:s6], s20  }
0xa4: {  	_ =	swait.ge [sflag:s22], s20  }
0xa5: {  	s5 =	ssub.s32 $0x0, s20;
	[sflag:s22] =	ssyncset.done $0x0  }
0xa6: {  	[sflag:s22] =	ssyncadd.s32 s5;
	_ =	sdelay $0x1  }
0xa7: {  	s23 =	simm.s32 $0x1B8B  }
0xa8: {  	_ =	swait.ge [sflag:s23], $0x1  }
0xa9: {  	[sflag:s23] =	ssyncset.done $0x0  }
0xaa: {  	s25 =	simm.s32 $0x1B8E;
	s24 =	sld [smem:$0x3FFE];
	[sflag:s23] =	ssyncadd.s32 $0xFFFFFFFF  }
0xab: {  	s26 =	simm.s32 $execute0_lowered;
	[smem:$0x3FD2] =	sst s25  }
0xac: {  	s6 =	sshll.u32 s26, $0x1;
	_ =	strace $0x8000004C;
	[dreg:$0x1] =	wrdreg $0xFFFFFFFF  }
0xad: {  	s28 =	simm.s32 $_size_execute0_lowered;
	s4 =	sadd.s32 s4, s6;
	[dreg:$0x0] =	wrdreg $0x0  }
0xae: {  	s6 =	sshll.u32 s28, $0x1;
	[dreg:$0x2] =	wrdreg s4  }
0xaf: {  	[dreg:$0x3] =	wrdreg s6  }
0xb0: {  	[dreg:$0x4] =	wrdreg $0xC0  }
0xb1: {  	_ =	task [dreg:s8], $0x5FFFF  }
0xb2: {  	[dreg:$0x1] =	wrdreg $0xFFFFFFFF  }
0xb3: {  	[dreg:$0x0] =	wrdreg $0x60  }
0xb4: {  	[dreg:$0x2] =	wrdreg s24  }
0xb5: {  	[dreg:$0x3] =	wrdreg s16  }
0xb6: {  	[dreg:$0x4] =	wrdreg s17  }
0xb7: {  	[dreg:$0x5] =	wrdreg $0x90000  }
0xb8: {  	[dreg:$0x6] =	wrdreg $0x9  }
0xb9: {  	_ =	task.clear_ibuf [dreg:s8], $0x7FFFF;
	_ =	strace $0x9000004C  }
0xba: {  	s29 =	simm.s32 $0x9;
	_ =	strace $0x8000004E  }
0xbb: {  	_ =	swait.ge [sflag:s29], $0x1  }
0xbc: {  	[sflag:s29] =	ssyncadd.s32 $0xFFFFFFFF  }
0xbd: {  	_ =	strace $0x9000004E  }
0xbe: {  	_ =	sfence  }
0xbf: {  	s30 =	sld [smem:$0x0];
	_ =	sdelay $0x2  }
0xc0: {  	s31 =	sshll.u32 s1, $0xD;
	s1 =	sshrl.u32 s1, $0x2  }
0xc1: {  	s3 =	sand.u32 $0x4000, s31;
	s1 =	sadd.s32 s1, s30  }
0xc2: {  	s0 =	sor.u32 s3, s0;
	s1 =	sshll.u32 s1, $0x11  }
0xc3: {  	s0 =	sor.u32 s1, s0  }
0xc4: {  	s0 =	sadd.s32 $0x8F2B, s0  }
0xc5: {  	[sflag:s0] =	ssyncadd.remote.s32 $0x1  }
0xc6: {  	_ =	sfence.sel $0xFFFF  }
0xc7: {  	[dreg:$0x0] =	wrdreg $0xFFFFFFFF;
	(pc) =	sbr.abs _section_cstart, $3  }
0xc8: {  	[dreg:$0x1] =	wrdreg $0xFFFFFFFF  }
0xc9: {  	_ =	task.clear_ibuf [dreg:s8], $0x2FFFF;
	_ =	strace $0x9FFFFFFF  }
0xca: {  	(tm) =	ssettm $0x7FFFFFFF  }
0xcb: {  	_ =	shalt  }
tec
execute0_lowered:
.L_overlay_start_1:
0x0: {  	(tag) =	ssettag $0x1  }
0x1: {  	s5 =	rddreg [dreg:$0x0]  }
0x2: {  	s6 =	rddreg [dreg:$0x1]  }
0x3: {  	s7 =	rddreg [dreg:$0x2]  }
0x4: {  	s2 =	rddreg [dreg:$0x3]  }
0x5: {  	s0 =	rddreg [dreg:$0x4];
	s1 =	stileid.u32  }
0x6: {  	s4 =	srdreg.scid;
	s3 =	simm.s32 $0x0;
	s14 =	simm.s32 $0x80  }
0x7: {  	s15 =	simm.s32 $0x5000;
	s16 =	simm.s32 $0x1;
	s17 =	simm.s32 $0x0  }
0x8: {  	s8 =	smul.u32 $0x13C00, s1;
	s9 =	sand.u32 $0x1, s4;
	[smem:$0x7FF] =	sst s3  }
0x9: {  	s4 =	sadd.s32 $0x2800, s5;
	s12 =	smul.u32 $0x4F000, s1;
	s31 =	sshll.u32 s1, $0x6  }
0xa: {  	s10 =	smul.u32 $0x13C000, s9;
	s29 =	sshll.u32 s9, $0x4;
	s9 =	ssub.s32 $0x2, s9  }
0xb: {  	_ =	strace $0x8000004D;
	s11 =	sshrl.u32 s8, $0x3;
	s13 =	sshrl.u32 s9, $0x1  }
0xc: {  	s12 =	sshrl.u32 s12, $0x2;
	s11 =	sadd.s32 s11, s5;
	s8 =	sadd.s32 s8, s10  }
0xd: {  	s10 =	sor.u32 s1, s29;
	s9 =	ssub.s32 s9, s13;
	s30 =	sadd.s32 s12, s2  }
0xe: {  	s12 =	sor.u32 $0x1C02, s31;
	s8 =	sshrl.u32 s8, $0x3;
	s10 =	smul.u32 $0x500, s10  }
0xf: {  	s9 =	smax.u32 s9, $0x1;
	s13 =	sshrl.u32 s30, $0x3;
	s8 =	sadd.s32 s8, s5  }
0x10: {  	s5 =	sadd.s32 s6, s10;
	s6 =	sadd.s32 s7, s10;
	s7 =	sadd.s32 $0x29A00, s11  }
0x11: {  	s8 =	sadd.s32 $0x51200, s8;
	s10 =	simm.s32 $0x2;
	s11 =	simm.s32 $0x2800  }
.LBB2_1:
0x12: {  	[tilespmem:s3], [sflag:$0x2] =	stream.linear.gather [hbm4b:s5+s3], $0x2780, $0x38;
	[tilespmem:$0x1CC00] =	vst v63  }
0x13: {  	_ =	swait.ge [sflag:s10], $0x2780  }
0x14: {  	[sflag:s10] =	ssyncset.done $0x0  }
0x15: {  	[sflag:s10] =	ssyncadd.s32 $0xFFFFD880  }
0x16: {  	[tilespmem:s11], [sflag:$0x2] =	stream.linear.gather [hbm4b:s6+s3], $0x2780, $0x38;
	[tilespmem:$0x1CC00] =	vst v63  }
0x17: {  	_ =	swait.ge [sflag:s10], $0x2780  }
0x18: {  	[sflag:s10] =	ssyncset.done $0x0  }
0x19: {  	[sflag:s10] =	ssyncadd.s32 $0xFFFFD880  }
0x1a: {  	[spmem:s13], [sflag:s12] =	dma.local [hbm:s7], $0x2780  }
0x1b: {  	_ =	swait.ge [sflag:s10], $0x2780  }
0x1c: {  	[sflag:s10] =	ssyncset.done $0x0  }
0x1d: {  	[sflag:s10] =	ssyncadd.s32 $0xFFFFD880  }
0x1e: {  	s18 =	simm.s32 $0x0;
	[bflag:$0x0] =	sbarrier.arrive $0xFFFF  }
0x1f: {  	[tilespmem:s15], [sflag:$0x1] =	stream.indirect.gather [hbm4b:s4+s14], $0x80, s18, s14, $0xb8;
	[tilespmem:$0x1CC00] =	vst v63  }
0x20: {  	_ =	swait.ge [sflag:s16], $0x4000  }
0x21: {  	[sflag:s16] =	ssyncset.done $0x0  }
0x22: {  	s31 =	simm.s32 $0x2800;
	[sflag:s16] =	ssyncadd.s32 $0xFFFFC000  }
0x23: {  	[spmem:s2] =	stream.indirect.scatter.add.f32 [tilespmem:s15], [sflag:$0x2], $0x80, s31, s14, $0xb8;
	[tilespmem:$0x1CC00] =	vst v63  }
0x24: {  	_ =	swait.ge [sflag:s10], $0x4000  }
0x25: {  	s19 =	simm.s32 $0x400;
	s18 =	simm.s32 $0x200;
	[sflag:s10] =	ssyncset.done $0x0  }
.LBB2_2:
0x26: {  	s20 =	sshra.s32 s18, $0x2  }
0x27: {  	[sflag:s10] =	ssyncadd.s32 $0xFFFFC000;
	s18 =	smov.u32 s19;
	s21 =	sadd.s32 $0x200, s19  }
0x28: {  	[tilespmem:s15], [sflag:$0x1] =	stream.indirect.gather [hbm4b:s4+s14], $0x80, s20, s14, $0xb8;
	[tilespmem:$0x1CC00] =	vst v63  }
0x29: {  	p0 =	sne.s32 s19, $0x9C00;
	_ =	swait.ge [sflag:s16], $0x4000  }
.Ltmp0:
0x2a: {  	[sflag:s16] =	ssyncset.done $0x0;
	(pc) =	sbr.rel @p0 .LBB2_2-.Ltmp0, $4  }
0x2b: {  	s19 =	sadd.s32 $0x2800, s20;
	[sflag:s16] =	ssyncadd.s32 $0xFFFFC000  }
0x2c: {  	[spmem:s2] =	stream.indirect.scatter.add.f32 [tilespmem:s15], [sflag:$0x2], $0x80, s19, s14, $0xb8;
	[tilespmem:$0x1CC00] =	vst v63  }
0x2d: {  	_ =	swait.ge [sflag:s10], $0x4000  }
0x2e: {  	s19 =	smov.u32 s21;
	[sflag:s10] =	ssyncset.done $0x0  }
0x2f: {  	s18 =	sshra.s32 s18, $0x2;
	[sflag:s10] =	ssyncadd.s32 $0xFFFFC000  }
0x30: {  	[tilespmem:s15], [sflag:$0x1] =	stream.indirect.gather [hbm4b:s4+s14], $0x80, s18, s14, $0xb8;
	[tilespmem:$0x1CC00] =	vst v63  }
0x31: {  	_ =	swait.ge [sflag:s16], $0x4000  }
0x32: {  	[sflag:s16] =	ssyncset.done $0x0  }
0x33: {  	s18 =	sadd.s32 $0x2800, s18;
	[sflag:s16] =	ssyncadd.s32 $0xFFFFC000  }
0x34: {  	[spmem:s2] =	stream.indirect.scatter.add.f32 [tilespmem:s15], [sflag:$0x2], $0x80, s18, s14, $0xb8;
	[tilespmem:$0x1CC00] =	vst v63  }
0x35: {  	_ =	swait.ge [sflag:s10], $0x4000  }
0x36: {  	s17 =	sadd.s32 $0x1, s17;
	[sflag:s10] =	ssyncset.done $0x0  }
0x37: {  	p0 =	sne.s32 s17, s9;
	[sflag:s10] =	ssyncadd.s32 $0xFFFFC000  }
.Ltmp1:
0x38: {  	[bflag:$0x0] =	sbarrier.arrive $0xFFFF;
	(pc) =	sbr.rel @p0 .LBB2_1-.Ltmp1, $4  }
0x39: {  	[hbm:s8], [sflag:s12] =	dma.local [spmem:s13], $0x2780  }
0x3a: {  	_ =	swait.ge [sflag:s10], $0x2780  }
0x3b: {  	[sflag:s10] =	ssyncset.done $0x0  }
0x3c: {  	[sflag:s10] =	ssyncadd.s32 $0xFFFFD880  }
0x3d: {  	_ =	sfence.sel $0x180000  }
0x3e: {  	[bflag:$0x0] =	sbarrier.arrive $0xFFFF  }
0x3f: {  	p0 =	sne.s32 s1, $0x0;
	_ =	strace $0x9000004D  }
0x40: {  	s0 =	sadd.s32 @!p0 $0x100000, s0;
	[bflag:$0x2] =	sbarrier.arrive $0xFFFF  }
0x41: {  	[sflag:s0] =	ssyncadd.tile.s32 @!p0 $0x1;
	_ =	shalt  }
.Lfunc_end2:
_tile_overlayer_lowered:
.L_overlay_start_2:
0x42: {  	(tag) =	ssettag $0x2  }
0x43: {  	s0 =	rddreg [dreg:$0x0];
	s2 =	stileid.u32  }
0x44: {  	s1 =	rddreg [dreg:$0x1];
	p0 =	sne.s32 s2, $0x0  }
0x45: {  	s3 =	rddreg [dreg:$0x2];
	[bflag:$0x3] =	sbarrier.arrive $0xFFFF;
	s2 =	simm.s32 @!p0 $0x1C02  }
0x46: {  	[timem:s3], [sflag:s2] =	dma.local @!p0 [hbm:s0], s1  }
0x47: {  	s0 =	simm.s32 @!p0 $0x2  }
0x48: {  	_ =	swait.ge @!p0 [sflag:s0], s1  }
0x49: {  	s1 =	ssub.s32 @!p0 $0x0, s1;
	[sflag:s0] =	ssyncset.done @!p0 $0x0  }
0x4a: {  	[sflag:s0] =	ssyncadd.s32 @!p0 s1  }
0x4b: {  	[bflag:$0x3] =	sbarrier.arrive $0xFFFF  }
0x4c: {  	_ =	shalt  }

</sc_bundles>
